<compile_context>
chip_gen: v7x
topology: tpu7x:2x2x1
jax: 0.10.2.dev20260603
libtpu: 0.0.44.dev20260713+nightly
codegen_flags: <defaults>
</compile_context>

<pallas_src>
import functools

import jax
import jax.numpy as jnp
from jax import lax
from jax.experimental import pallas as pl
from jax.experimental.pallas import tpu as pltpu
from jax.experimental.pallas import tpu_sc as plsc

N_TOKENS = 4096
DIM = 1024
DIM_H = 256
NEXP = 8
TB = 512
NT = N_TOKENS // TB
B_T = 256
LOG_BT = 8
NB_MAX = N_TOKENS // B_T + NEXP
N_PAD = NB_MAX * B_T

NCORE = 2
NSUB = 16
NW = NCORE * NSUB
TOK_W = N_TOKENS // NW
SCW = 128
CH = 32
NCH = TOK_W // CH
ZCH = 64
NZCH = TOK_W // ZCH
LANE = 16


def _router_body(x_ref, wsw_ref, bsw_ref, u_ref, gs_ref,
                 ylog_ref, yidx_ref, yhard_ref, zmg_ref, zlvg_ref, zg_ref,
                 zgw_ref, p_ref, be_ref, carry_ref, yidx_s, rank_s):
    i = pl.program_id(0)

    @pl.when(i == NT)
    def _():
        counts = carry_ref[...].astype(jnp.int32)
        pc = jax.lax.shift_left(
            jax.lax.shift_right_logical(counts + (B_T - 1), LOG_BT), LOG_BT)
        pcf = pc.astype(jnp.float32)
        upper = (jax.lax.broadcasted_iota(jnp.int32, (NEXP, NEXP), 0)
                 < jax.lax.broadcasted_iota(jnp.int32, (NEXP, NEXP), 1)
                 ).astype(jnp.float32)
        pstart = jnp.dot(pcf, upper,
                         preferred_element_type=jnp.float32)

        iota8n = jax.lax.broadcasted_iota(jnp.int32, (N_TOKENS, NEXP), 1)
        onehot_n = (iota8n == yidx_s[...]).astype(jnp.float32)
        p_ref[...] = (jnp.sum(onehot_n * pstart, axis=1, keepdims=True)
                      ).astype(jnp.int32) + rank_s[...]

        pstart_i = pstart.astype(jnp.int32)
        iota_b = jax.lax.broadcasted_iota(
            jnp.int32, (NB_MAX, NEXP), 0) * B_T
        ge = (iota_b >= pstart_i).astype(jnp.int32)
        be_ref[...] = jnp.sum(ge, axis=1, keepdims=True) - 1

    @pl.when(i < NT)
    def _router_pass():
        _router_block(x_ref, wsw_ref, bsw_ref, u_ref, gs_ref,
                      ylog_ref, yidx_ref, yhard_ref, zmg_ref, zlvg_ref,
                      zg_ref, zgw_ref, carry_ref, yidx_s, rank_s, i)


def _router_block(x_ref, wsw_ref, bsw_ref, u_ref, gs_ref,
                  ylog_ref, yidx_ref, yhard_ref, zmg_ref, zlvg_ref, zg_ref,
                  zgw_ref, carry_ref, yidx_s, rank_s, i):
    xb = x_ref[...]
    ob = jnp.maximum(xb, 0.0)
    ctrl = jnp.dot(ob, wsw_ref[...], preferred_element_type=jnp.float32)
    ctrl = ctrl + bsw_ref[...]
    y_logits = ctrl[:, 0:NEXP]
    z_mean = ctrl[:, NEXP:2 * NEXP]
    z_logvar = ctrl[:, 2 * NEXP:3 * NEXP]

    e = -jnp.log(u_ref[...])
    g = -jnp.log(e + 1e-20)
    gum = (y_logits + g) / 1.0
    m = jnp.max(gum, axis=1, keepdims=True)
    ex = jnp.exp(gum - m)
    y_soft = ex / jnp.sum(ex, axis=1, keepdims=True)

    iota8 = jax.lax.broadcasted_iota(jnp.int32, (TB, NEXP), 1)
    msoft = jnp.max(y_soft, axis=1, keepdims=True)
    yidx = jnp.min(jnp.where(y_soft == msoft, iota8, NEXP),
                   axis=1, keepdims=True)
    onehot = (iota8 == yidx).astype(jnp.float32)
    y_hard = (onehot - y_soft) + y_soft

    z = gs_ref[...] * jnp.exp(z_logvar / 2.0) + z_mean
    zg = jnp.sum(z * onehot, axis=1, keepdims=True)

    ylog_ref[...] = y_logits
    yidx_ref[...] = yidx
    yhard_ref[...] = y_hard
    zmg_ref[...] = jnp.sum(z_mean * onehot, axis=1, keepdims=True)
    zlvg_ref[...] = jnp.sum(z_logvar * onehot, axis=1, keepdims=True)
    zg_ref[...] = zg
    zgw_ref[...] = zg * jnp.ones((TB, SCW), jnp.float32)

    @pl.when(i == 0)
    def _():
        carry_ref[...] = jnp.zeros_like(carry_ref)

    tril = (jax.lax.broadcasted_iota(jnp.int32, (TB, TB), 0)
            >= jax.lax.broadcasted_iota(jnp.int32, (TB, TB), 1)
            ).astype(jnp.float32)
    csum = jnp.dot(tril, onehot, preferred_element_type=jnp.float32)
    carry = carry_ref[...]
    rank_f = jnp.sum(onehot * (csum - 1.0 + carry), axis=1, keepdims=True)
    rank_s[pl.ds(i * TB, TB), :] = rank_f.astype(jnp.int32)
    yidx_s[pl.ds(i * TB, TB), :] = yidx
    carry_ref[...] = carry + jnp.sum(onehot, axis=0, keepdims=True)


def _run_router(x, W_sw, b_sw, gumbel_u, gauss):
    out_shapes = (
        jax.ShapeDtypeStruct((N_TOKENS, NEXP), jnp.float32),
        jax.ShapeDtypeStruct((N_TOKENS, 1), jnp.int32),
        jax.ShapeDtypeStruct((N_TOKENS, NEXP), jnp.float32),
        jax.ShapeDtypeStruct((N_TOKENS, 1), jnp.float32),
        jax.ShapeDtypeStruct((N_TOKENS, 1), jnp.float32),
        jax.ShapeDtypeStruct((N_TOKENS, 1), jnp.float32),
        jax.ShapeDtypeStruct((N_TOKENS, SCW), jnp.float32),
        jax.ShapeDtypeStruct((N_TOKENS, 1), jnp.int32),
        jax.ShapeDtypeStruct((NB_MAX, 1), jnp.int32),
    )
    clamp = lambda i: jnp.minimum(i, NT - 1)
    tb_spec = lambda w: pl.BlockSpec((TB, w), lambda i: (clamp(i), 0))
    return pl.pallas_call(
        _router_body,
        grid=(NT + 1,),
        in_specs=[
            tb_spec(DIM),
            pl.BlockSpec((DIM, 3 * NEXP), lambda i: (0, 0)),
            pl.BlockSpec((1, 3 * NEXP), lambda i: (0, 0)),
            tb_spec(NEXP),
            tb_spec(NEXP),
        ],
        out_specs=(
            tb_spec(NEXP), tb_spec(1), tb_spec(NEXP),
            tb_spec(1), tb_spec(1), tb_spec(1), tb_spec(SCW),
            pl.BlockSpec((N_TOKENS, 1), lambda i: (0, 0)),
            pl.BlockSpec((NB_MAX, 1), lambda i: (0, 0)),
        ),
        out_shape=out_shapes,
        scratch_shapes=[
            pltpu.VMEM((1, NEXP), jnp.float32),
            pltpu.VMEM((N_TOKENS, 1), jnp.int32),
            pltpu.VMEM((N_TOKENS, 1), jnp.int32),
        ],
        compiler_params=pltpu.CompilerParams(
            dimension_semantics=("arbitrary",)),
    )(x, W_sw, b_sw.reshape(1, -1), gumbel_u, gauss)


@functools.lru_cache(maxsize=None)
def _make_sc_scatter_dispatch():
    mesh = plsc.VectorSubcoreMesh(core_axis_name="c", subcore_axis_name="s")

    @functools.partial(
        pl.kernel,
        mesh=mesh,
        out_type=(
            jax.ShapeDtypeStruct((N_PAD, DIM), jnp.float32),
            jax.ShapeDtypeStruct((N_PAD, SCW), jnp.float32),
        ),
        scratch_types=[
            pltpu.VMEM((NCH, CH), jnp.int32),
            pltpu.VMEM((NZCH, ZCH), jnp.int32),
            pltpu.VMEM((CH, DIM), jnp.float32),
            pltpu.VMEM((CH, DIM), jnp.float32),
            pltpu.VMEM((ZCH, SCW), jnp.float32),
            pltpu.VMEM((ZCH, SCW), jnp.float32),
            pltpu.SemaphoreType.DMA,
            pltpu.SemaphoreType.DMA,
            pltpu.SemaphoreType.DMA,
            pltpu.SemaphoreType.DMA,
            pltpu.SemaphoreType.DMA,
        ],
    )
    def _sc_dispatch(x_hbm, p_hbm, zg_hbm, xs_hbm, s_hbm,
                     idx_v, zidx_v, xb0, xb1, zb0, zb1,
                     si0, si1, so0, so1, sz):
        wid = lax.axis_index("s") * NCORE + lax.axis_index("c")
        base = wid * TOK_W

        for c in range(NCH):
            pltpu.sync_copy(p_hbm.at[pl.ds(base + c * CH, CH)], idx_v.at[c])
        for c in range(NZCH):
            pltpu.sync_copy(p_hbm.at[pl.ds(base + c * ZCH, ZCH)],
                            zidx_v.at[c])

        zbufs = (zb0, zb1)
        zin = []
        for c in range(NZCH):
            zin.append(pltpu.async_copy(
                zg_hbm.at[pl.ds(base + c * ZCH, ZCH)], zbufs[c], sz))

        bufs = (xb0, xb1)
        sin = (si0, si1)
        sout = (so0, so1)
        ins = [None] * NCH
        scat = [None] * NCH
        for c in range(2):
            ins[c] = pltpu.async_copy(
                x_hbm.at[pl.ds(base + c * CH, CH)], bufs[c], sin[c])
        for c in range(NCH):
            b = c % 2
            ins[c].wait()
            scat[c] = pltpu.async_copy(bufs[b], xs_hbm.at[idx_v.at[c]],
                                       sout[b])
            if c + 2 < NCH:
                scat[c].wait()
                ins[c + 2] = pltpu.async_copy(
                    x_hbm.at[pl.ds(base + (c + 2) * CH, CH)], bufs[b],
                    sin[b])
        for c in range(NCH - 2, NCH):
            scat[c].wait()

        zout = []
        for c in range(NZCH):
            zin[c].wait()
            zout.append(pltpu.async_copy(zbufs[c], s_hbm.at[zidx_v.at[c]],
                                         sz))
        for d in zout:
            d.wait()

    return _sc_dispatch


def _ffn_body(be_ref, xs_ref, s_ref, w1_ref, b1_ref, w2_ref, b2_ref,
              out_ref):
    i = pl.program_id(0)
    e = be_ref[i]
    xb = xs_ref[...]
    ob = jnp.maximum(xb, 0.0).astype(jnp.bfloat16)
    h = jnp.maximum(
        jnp.dot(ob, w1_ref[e], preferred_element_type=jnp.float32)
        + b1_ref[e], 0.0).astype(jnp.bfloat16)
    eo = jnp.dot(h, w2_ref[e], preferred_element_type=jnp.float32) + b2_ref[e]
    out_ref[...] = xb + s_ref[:, 0:1] * eo


def _run_ffn(block_expert, xs, scale, W1, b1, W2, b2):
    grid_spec = pltpu.PrefetchScalarGridSpec(
        num_scalar_prefetch=1,
        grid=(NB_MAX,),
        in_specs=[
            pl.BlockSpec((B_T, DIM), lambda i, be: (i, 0)),
            pl.BlockSpec((B_T, SCW), lambda i, be: (i, 0)),
            pl.BlockSpec((NEXP, DIM, DIM_H), lambda i, be: (0, 0, 0)),
            pl.BlockSpec((NEXP, 1, DIM_H), lambda i, be: (0, 0, 0)),
            pl.BlockSpec((NEXP, DIM_H, DIM), lambda i, be: (0, 0, 0)),
            pl.BlockSpec((NEXP, 1, DIM), lambda i, be: (0, 0, 0)),
        ],
        out_specs=pl.BlockSpec((B_T, DIM), lambda i, be: (i, 0)),
    )
    return pl.pallas_call(
        _ffn_body,
        grid_spec=grid_spec,
        out_shape=jax.ShapeDtypeStruct((N_PAD, DIM), jnp.float32),
        compiler_params=pltpu.CompilerParams(
            dimension_semantics=("arbitrary",)),
    )(block_expert, xs, scale,
      W1.astype(jnp.bfloat16), b1.reshape(NEXP, 1, DIM_H),
      W2.astype(jnp.bfloat16), b2.reshape(NEXP, 1, DIM))


@functools.lru_cache(maxsize=None)
def _make_sc_gather_combine():
    mesh = plsc.VectorSubcoreMesh(core_axis_name="c", subcore_axis_name="s")

    @functools.partial(
        pl.kernel,
        mesh=mesh,
        out_type=jax.ShapeDtypeStruct((N_TOKENS, DIM), jnp.float32),
        scratch_types=[
            pltpu.VMEM((NCH, CH), jnp.int32),
            pltpu.VMEM((CH, DIM), jnp.float32),
            pltpu.VMEM((CH, DIM), jnp.float32),
            pltpu.SemaphoreType.DMA,
            pltpu.SemaphoreType.DMA,
            pltpu.SemaphoreType.DMA,
            pltpu.SemaphoreType.DMA,
        ],
    )
    def _sc_gather_combine(ys_hbm, p_hbm, out_hbm,
                           idx_v, b0, b1, si0, si1, so0, so1):
        wid = lax.axis_index("s") * NCORE + lax.axis_index("c")
        base = wid * TOK_W
        for c in range(NCH):
            pltpu.sync_copy(p_hbm.at[pl.ds(base + c * CH, CH)], idx_v.at[c])
        bufs = (b0, b1)
        sin = (si0, si1)
        sout = (so0, so1)
        ins = [None] * NCH
        outs = [None] * NCH
        for c in range(2):
            ins[c] = pltpu.async_copy(ys_hbm.at[idx_v.at[c]], bufs[c],
                                      sin[c])
        for c in range(NCH):
            b = c % 2
            ins[c].wait()
            outs[c] = pltpu.async_copy(
                bufs[b], out_hbm.at[pl.ds(base + c * CH, CH)], sout[b])
            if c + 2 < NCH:
                outs[c].wait()
                ins[c + 2] = pltpu.async_copy(ys_hbm.at[idx_v.at[c + 2]],
                                              bufs[b], sin[b])
        for c in range(NCH - 2, NCH):
            outs[c].wait()

    return _sc_gather_combine


@jax.jit
def kernel(x, W_sw, b_sw, W1, b1, W2, b2, gumbel_u, gauss):
    (y_logits, y_index, y_hard, z_mean_g, z_logvar_g, z_g,
     zgw, p2d, be) = _run_router(x, W_sw, b_sw, gumbel_u, gauss)
    p = p2d.reshape(N_TOKENS)
    xs, scale = _make_sc_scatter_dispatch()(x, p, zgw)
    ys = _run_ffn(be.reshape(NB_MAX), xs, scale, W1, b1, W2, b2)
    out = _make_sc_gather_combine()(ys, p)
    return (out, y_logits, y_index, y_hard, z_mean_g, z_logvar_g, z_g)

# --- scband reference (transcript-rebuilt; emitter-appended) ---
"""Pipeline reference for scband-conv-switched-vae-58720792871212 (READ-ONLY COPY).

The authoritative reference and input builder live on the scoring server;
editing this copy changes nothing except your own understanding.
"""

import jax, jax.numpy as jnp
import numpy as np

N_TOK = 4096
D = 1024
D_SM = 256
N_BRANCHES = 8
TAU = 1.0


def setup_inputs(seed: int = 0) -> dict:
    key = jax.random.key(seed)
    ks = jax.random.split(key, 8)
    x = jax.random.normal(ks[0], (N_TOK, D), dtype=jnp.float32)
    # switch (router) linear: n_dims -> 3 * n_branches
    W_sw = jax.random.normal(ks[1], (D, 3 * N_BRANCHES), dtype=jnp.float32) * 0.02
    b_sw = jnp.zeros((3 * N_BRANCHES,), dtype=jnp.float32)
    # per-branch 2-layer FC experts: D -> D_SM -> D
    W1 = jax.random.normal(ks[2], (N_BRANCHES, D, D_SM), dtype=jnp.float32) * 0.02
    b1 = jnp.zeros((N_BRANCHES, D_SM), dtype=jnp.float32)
    W2 = jax.random.normal(ks[3], (N_BRANCHES, D_SM, D), dtype=jnp.float32) * 0.02
    b2 = jnp.zeros((N_BRANCHES, D), dtype=jnp.float32)
    # pre-sampled noise (torch uses exponential_ for gumbel and randn for gaussian)
    gumbel_u = jax.random.uniform(ks[4], (N_TOK, N_BRANCHES), dtype=jnp.float32, minval=1e-9, maxval=1.0)
    gauss = jax.random.normal(ks[5], (N_TOK, N_BRANCHES), dtype=jnp.float32)
    return {"x": x, "W_sw": W_sw, "b_sw": b_sw, "W1": W1, "b1": b1, "W2": W2, "b2": b2, "gumbel_u": gumbel_u, "gauss": gauss}


def reference(x, W_sw, b_sw, W1, b1, W2, b2, gumbel_u, gauss):
    out = jax.nn.relu(x)
    ctrl = (out @ W_sw + b_sw).reshape(-1, 3, N_BRANCHES)
    y_logits = ctrl[:, 0]
    z_mean = ctrl[:, 1]
    z_logvar = ctrl[:, 2]
    # sample_from_gumbel_softmax: exponential noise e = -log(u); gumbel = -log(e + 1e-20)
    e = -jnp.log(gumbel_u)
    g = -jnp.log(e + 1e-20)
    gum = (y_logits + g) / TAU
    y_soft = jax.nn.softmax(gum, axis=1)
    y_index = jnp.argmax(y_soft, axis=1, keepdims=True)  # [N, 1] int
    y_hard_raw = jax.nn.one_hot(y_index[:, 0], N_BRANCHES, dtype=y_logits.dtype)
    y_hard = y_hard_raw - jax.lax.stop_gradient(y_soft) + y_soft
    # sample_from_gaussian
    z = gauss * jnp.exp(z_logvar / 2.0) + z_mean
    # switched expert dispatch: each token routed to expert y_index, output scaled by z[:, y_index]
    h = jax.nn.relu(jnp.einsum('nd,edh->enh', out, W1) + b1[:, None, :])  # [E, N, D_SM]
    eo = jnp.einsum('enh,ehd->end', h, W2) + b2[:, None, :]  # [E, N, D]
    mask = jnp.transpose(jax.nn.one_hot(y_index[:, 0], N_BRANCHES, dtype=out.dtype))  # [E, N]
    scaled = eo * jnp.transpose(z)[:, :, None]  # z[:, i] scaling per expert branch
    sp_sum = jnp.sum(scaled * mask[:, :, None], axis=0)  # [N, D] (dense of sparse_coo sum)
    # gather routed stats
    z_mean_g = jnp.take_along_axis(z_mean, y_index, axis=1)
    z_logvar_g = jnp.take_along_axis(z_logvar, y_index, axis=1)
    z_g = jnp.take_along_axis(z, y_index, axis=1)
    return (x + sp_sum, y_logits, y_index, y_hard, z_mean_g, z_logvar_g, z_g)

if __name__ == "__main__":
    import jax
    _d = setup_inputs()
    print(jax.jit(kernel)(*tuple(_d.values())))

</pallas_src>

<mosaic_0001>
#map = affine_map<(d0, d1) -> (0, 0)>
#map1 = affine_map<(d0, d1) -> (0)>
module attributes {stable_mosaic.version = 14 : i64} {
  func.func @_sc_dispatch(%arg0: i32, %arg1: i32, %arg2: memref<4096x1024xf32, #tpu.memory_space<hbm>>, %arg3: memref<4096xi32, #tpu.memory_space<hbm>>, %arg4: memref<4096x128xf32, #tpu.memory_space<hbm>>, %arg5: memref<6144x1024xf32, #tpu.memory_space<hbm>>, %arg6: memref<6144x128xf32, #tpu.memory_space<hbm>>, %arg7: memref<4x32xi32, #tpu.memory_space<vmem>>, %arg8: memref<2x64xi32, #tpu.memory_space<vmem>>, %arg9: memref<32x1024xf32, #tpu.memory_space<vmem>>, %arg10: memref<32x1024xf32, #tpu.memory_space<vmem>>, %arg11: memref<64x128xf32, #tpu.memory_space<vmem>>, %arg12: memref<64x128xf32, #tpu.memory_space<vmem>>, %arg13: memref<!tpu.dma_semaphore, #tpu.memory_space<semaphore_mem>>, %arg14: memref<!tpu.dma_semaphore, #tpu.memory_space<semaphore_mem>>, %arg15: memref<!tpu.dma_semaphore, #tpu.memory_space<semaphore_mem>>, %arg16: memref<!tpu.dma_semaphore, #tpu.memory_space<semaphore_mem>>, %arg17: memref<!tpu.dma_semaphore, #tpu.memory_space<semaphore_mem>>) attributes {dimension_semantics = [#tpu.dimension_semantics<core_parallel>, #tpu.dimension_semantics<subcore_parallel>], iteration_bounds = array<i64: 2, 16>, scalar_prefetch = 0 : i64, scratch_operands = 11 : i64, tpu.core_type = #tpu.core_type<sc_vector_subcore>, window_params = [{transform_indices = #map}, {transform_indices = #map1}, {transform_indices = #map}, {transform_indices = #map}, {transform_indices = #map}]} {
    %mul3A = arith.constant 2 : i32
    %mul3A_0 = arith.muli %arg1, %mul3A : i32
    %add3A = arith.addi %mul3A_0, %arg0 : i32
    %mul3A_1 = arith.constant 128 : i32
    %mul3A_2 = arith.muli %add3A, %mul3A_1 : i32
    %add3A_3 = arith.constant 0 : i32
    %add3A_4 = arith.addi %mul3A_2, %add3A_3 : i32
    %run_scoped3A = arith.constant 0 : i32
    "tpu.region"() ({
      %run_scoped3A_162 = tpu.sem_alloc : memref<!tpu.dma_semaphore, #tpu.memory_space<semaphore_mem>>
      %dma_start3A_163 = arith.constant 0 : i32
      %dma_start3A_164 = tpu.memref_slice %arg7[%run_scoped3A, %dma_start3A_163] : memref<4x32xi32, #tpu.memory_space<vmem>> -> memref<1x32xi32, #tpu.memory_space<vmem>>
      %dma_start3A_165 = tpu.memref_squeeze %dma_start3A_164 : memref<1x32xi32, #tpu.memory_space<vmem>> -> memref<32xi32, #tpu.memory_space<vmem>>
      %dma_start3A_166 = tpu.memref_slice %arg3[%add3A_4] : memref<4096xi32, #tpu.memory_space<hbm>> -> memref<32xi32, #tpu.memory_space<hbm>>
      %dma_start3A_167 = arith.constant 0 : i32
      %dma_start3A_168 = tpu.memref_slice %arg7[%run_scoped3A, %dma_start3A_167] : memref<4x32xi32, #tpu.memory_space<vmem>> -> memref<1x32xi32, #tpu.memory_space<vmem>>
      %dma_start3A_169 = tpu.memref_squeeze %dma_start3A_168 : memref<1x32xi32, #tpu.memory_space<vmem>> -> memref<32xi32, #tpu.memory_space<vmem>>
      %dma_start3A_170 = tpu.memref_slice %arg3[%add3A_4] : memref<4096xi32, #tpu.memory_space<hbm>> -> memref<32xi32, #tpu.memory_space<hbm>>
      tpu.enqueue_dma source(%dma_start3A_170 : memref<32xi32, #tpu.memory_space<hbm>>) target(%dma_start3A_169 : memref<32xi32, #tpu.memory_space<vmem>>) target_semaphore(%run_scoped3A_162 : memref<!tpu.dma_semaphore, #tpu.memory_space<semaphore_mem>>)
      %dma_wait3A_171 = arith.constant 0 : i32
      %dma_wait3A_172 = tpu.memref_slice %arg7[%run_scoped3A, %dma_wait3A_171] : memref<4x32xi32, #tpu.memory_space<vmem>> -> memref<1x32xi32, #tpu.memory_space<vmem>>
      %dma_wait3A_173 = tpu.memref_squeeze %dma_wait3A_172 : memref<1x32xi32, #tpu.memory_space<vmem>> -> memref<32xi32, #tpu.memory_space<vmem>>
      %dma_wait3A_174 = tpu.memref_slice %arg3[%add3A_4] : memref<4096xi32, #tpu.memory_space<hbm>> -> memref<32xi32, #tpu.memory_space<hbm>>
      %dma_wait3A_175 = arith.constant 0 : i32
      %dma_wait3A_176 = tpu.memref_slice %arg7[%run_scoped3A, %dma_wait3A_175] : memref<4x32xi32, #tpu.memory_space<vmem>> -> memref<1x32xi32, #tpu.memory_space<vmem>>
      %dma_wait3A_177 = tpu.memref_squeeze %dma_wait3A_176 : memref<1x32xi32, #tpu.memory_space<vmem>> -> memref<32xi32, #tpu.memory_space<vmem>>
      %dma_wait3A_178 = tpu.memref_slice %arg3[%add3A_4] : memref<4096xi32, #tpu.memory_space<hbm>> -> memref<32xi32, #tpu.memory_space<hbm>>
      tpu.wait_dma2 semaphore(%run_scoped3A_162 : memref<!tpu.dma_semaphore, #tpu.memory_space<semaphore_mem>>) src(%dma_wait3A_178 : memref<32xi32, #tpu.memory_space<hbm>>) dst(%dma_wait3A_177 : memref<32xi32, #tpu.memory_space<vmem>>)
      tpu.yield
    }) : () -> ()
    %add3A_5 = arith.constant 32 : i32
    %add3A_6 = arith.addi %mul3A_2, %add3A_5 : i32
    %run_scoped3A_7 = arith.constant 1 : i32
    "tpu.region"() ({
      %run_scoped3A_162 = tpu.sem_alloc : memref<!tpu.dma_semaphore, #tpu.memory_space<semaphore_mem>>
      %dma_start3A_163 = arith.constant 0 : i32
      %dma_start3A_164 = tpu.memref_slice %arg7[%run_scoped3A_7, %dma_start3A_163] : memref<4x32xi32, #tpu.memory_space<vmem>> -> memref<1x32xi32, #tpu.memory_space<vmem>>
      %dma_start3A_165 = tpu.memref_squeeze %dma_start3A_164 : memref<1x32xi32, #tpu.memory_space<vmem>> -> memref<32xi32, #tpu.memory_space<vmem>>
      %dma_start3A_166 = tpu.memref_slice %arg3[%add3A_6] : memref<4096xi32, #tpu.memory_space<hbm>> -> memref<32xi32, #tpu.memory_space<hbm>>
      %dma_start3A_167 = arith.constant 0 : i32
      %dma_start3A_168 = tpu.memref_slice %arg7[%run_scoped3A_7, %dma_start3A_167] : memref<4x32xi32, #tpu.memory_space<vmem>> -> memref<1x32xi32, #tpu.memory_space<vmem>>
      %dma_start3A_169 = tpu.memref_squeeze %dma_start3A_168 : memref<1x32xi32, #tpu.memory_space<vmem>> -> memref<32xi32, #tpu.memory_space<vmem>>
      %dma_start3A_170 = tpu.memref_slice %arg3[%add3A_6] : memref<4096xi32, #tpu.memory_space<hbm>> -> memref<32xi32, #tpu.memory_space<hbm>>
      tpu.enqueue_dma source(%dma_start3A_170 : memref<32xi32, #tpu.memory_space<hbm>>) target(%dma_start3A_169 : memref<32xi32, #tpu.memory_space<vmem>>) target_semaphore(%run_scoped3A_162 : memref<!tpu.dma_semaphore, #tpu.memory_space<semaphore_mem>>)
      %dma_wait3A_171 = arith.constant 0 : i32
      %dma_wait3A_172 = tpu.memref_slice %arg7[%run_scoped3A_7, %dma_wait3A_171] : memref<4x32xi32, #tpu.memory_space<vmem>> -> memref<1x32xi32, #tpu.memory_space<vmem>>
      %dma_wait3A_173 = tpu.memref_squeeze %dma_wait3A_172 : memref<1x32xi32, #tpu.memory_space<vmem>> -> memref<32xi32, #tpu.memory_space<vmem>>
      %dma_wait3A_174 = tpu.memref_slice %arg3[%add3A_6] : memref<4096xi32, #tpu.memory_space<hbm>> -> memref<32xi32, #tpu.memory_space<hbm>>
      %dma_wait3A_175 = arith.constant 0 : i32
      %dma_wait3A_176 = tpu.memref_slice %arg7[%run_scoped3A_7, %dma_wait3A_175] : memref<4x32xi32, #tpu.memory_space<vmem>> -> memref<1x32xi32, #tpu.memory_space<vmem>>
      %dma_wait3A_177 = tpu.memref_squeeze %dma_wait3A_176 : memref<1x32xi32, #tpu.memory_space<vmem>> -> memref<32xi32, #tpu.memory_space<vmem>>
      %dma_wait3A_178 = tpu.memref_slice %arg3[%add3A_6] : memref<4096xi32, #tpu.memory_space<hbm>> -> memref<32xi32, #tpu.memory_space<hbm>>
      tpu.wait_dma2 semaphore(%run_scoped3A_162 : memref<!tpu.dma_semaphore, #tpu.memory_space<semaphore_mem>>) src(%dma_wait3A_178 : memref<32xi32, #tpu.memory_space<hbm>>) dst(%dma_wait3A_177 : memref<32xi32, #tpu.memory_space<vmem>>)
      tpu.yield
    }) : () -> ()
    %add3A_8 = arith.constant 64 : i32
    %add3A_9 = arith.addi %mul3A_2, %add3A_8 : i32
    %run_scoped3A_10 = arith.constant 2 : i32
    "tpu.region"() ({
      %run_scoped3A_162 = tpu.sem_alloc : memref<!tpu.dma_semaphore, #tpu.memory_space<semaphore_mem>>
      %dma_start3A_163 = arith.constant 0 : i32
      %dma_start3A_164 = tpu.memref_slice %arg7[%run_scoped3A_10, %dma_start3A_163] : memref<4x32xi32, #tpu.memory_space<vmem>> -> memref<1x32xi32, #tpu.memory_space<vmem>>
      %dma_start3A_165 = tpu.memref_squeeze %dma_start3A_164 : memref<1x32xi32, #tpu.memory_space<vmem>> -> memref<32xi32, #tpu.memory_space<vmem>>
      %dma_start3A_166 = tpu.memref_slice %arg3[%add3A_9] : memref<4096xi32, #tpu.memory_space<hbm>> -> memref<32xi32, #tpu.memory_space<hbm>>
      %dma_start3A_167 = arith.constant 0 : i32
      %dma_start3A_168 = tpu.memref_slice %arg7[%run_scoped3A_10, %dma_start3A_167] : memref<4x32xi32, #tpu.memory_space<vmem>> -> memref<1x32xi32, #tpu.memory_space<vmem>>
      %dma_start3A_169 = tpu.memref_squeeze %dma_start3A_168 : memref<1x32xi32, #tpu.memory_space<vmem>> -> memref<32xi32, #tpu.memory_space<vmem>>
      %dma_start3A_170 = tpu.memref_slice %arg3[%add3A_9] : memref<4096xi32, #tpu.memory_space<hbm>> -> memref<32xi32, #tpu.memory_space<hbm>>
      tpu.enqueue_dma source(%dma_start3A_170 : memref<32xi32, #tpu.memory_space<hbm>>) target(%dma_start3A_169 : memref<32xi32, #tpu.memory_space<vmem>>) target_semaphore(%run_scoped3A_162 : memref<!tpu.dma_semaphore, #tpu.memory_space<semaphore_mem>>)
      %dma_wait3A_171 = arith.constant 0 : i32
      %dma_wait3A_172 = tpu.memref_slice %arg7[%run_scoped3A_10, %dma_wait3A_171] : memref<4x32xi32, #tpu.memory_space<vmem>> -> memref<1x32xi32, #tpu.memory_space<vmem>>
      %dma_wait3A_173 = tpu.memref_squeeze %dma_wait3A_172 : memref<1x32xi32, #tpu.memory_space<vmem>> -> memref<32xi32, #tpu.memory_space<vmem>>
      %dma_wait3A_174 = tpu.memref_slice %arg3[%add3A_9] : memref<4096xi32, #tpu.memory_space<hbm>> -> memref<32xi32, #tpu.memory_space<hbm>>
      %dma_wait3A_175 = arith.constant 0 : i32
      %dma_wait3A_176 = tpu.memref_slice %arg7[%run_scoped3A_10, %dma_wait3A_175] : memref<4x32xi32, #tpu.memory_space<vmem>> -> memref<1x32xi32, #tpu.memory_space<vmem>>
      %dma_wait3A_177 = tpu.memref_squeeze %dma_wait3A_176 : memref<1x32xi32, #tpu.memory_space<vmem>> -> memref<32xi32, #tpu.memory_space<vmem>>
      %dma_wait3A_178 = tpu.memref_slice %arg3[%add3A_9] : memref<4096xi32, #tpu.memory_space<hbm>> -> memref<32xi32, #tpu.memory_space<hbm>>
      tpu.wait_dma2 semaphore(%run_scoped3A_162 : memref<!tpu.dma_semaphore, #tpu.memory_space<semaphore_mem>>) src(%dma_wait3A_178 : memref<32xi32, #tpu.memory_space<hbm>>) dst(%dma_wait3A_177 : memref<32xi32, #tpu.memory_space<vmem>>)
      tpu.yield
    }) : () -> ()
    %add3A_11 = arith.constant 96 : i32
    %add3A_12 = arith.addi %mul3A_2, %add3A_11 : i32
    %run_scoped3A_13 = arith.constant 3 : i32
    "tpu.region"() ({
      %run_scoped3A_162 = tpu.sem_alloc : memref<!tpu.dma_semaphore, #tpu.memory_space<semaphore_mem>>
      %dma_start3A_163 = arith.constant 0 : i32
      %dma_start3A_164 = tpu.memref_slice %arg7[%run_scoped3A_13, %dma_start3A_163] : memref<4x32xi32, #tpu.memory_space<vmem>> -> memref<1x32xi32, #tpu.memory_space<vmem>>
      %dma_start3A_165 = tpu.memref_squeeze %dma_start3A_164 : memref<1x32xi32, #tpu.memory_space<vmem>> -> memref<32xi32, #tpu.memory_space<vmem>>
      %dma_start3A_166 = tpu.memref_slice %arg3[%add3A_12] : memref<4096xi32, #tpu.memory_space<hbm>> -> memref<32xi32, #tpu.memory_space<hbm>>
      %dma_start3A_167 = arith.constant 0 : i32
      %dma_start3A_168 = tpu.memref_slice %arg7[%run_scoped3A_13, %dma_start3A_167] : memref<4x32xi32, #tpu.memory_space<vmem>> -> memref<1x32xi32, #tpu.memory_space<vmem>>
      %dma_start3A_169 = tpu.memref_squeeze %dma_start3A_168 : memref<1x32xi32, #tpu.memory_space<vmem>> -> memref<32xi32, #tpu.memory_space<vmem>>
      %dma_start3A_170 = tpu.memref_slice %arg3[%add3A_12] : memref<4096xi32, #tpu.memory_space<hbm>> -> memref<32xi32, #tpu.memory_space<hbm>>
      tpu.enqueue_dma source(%dma_start3A_170 : memref<32xi32, #tpu.memory_space<hbm>>) target(%dma_start3A_169 : memref<32xi32, #tpu.memory_space<vmem>>) target_semaphore(%run_scoped3A_162 : memref<!tpu.dma_semaphore, #tpu.memory_space<semaphore_mem>>)
      %dma_wait3A_171 = arith.constant 0 : i32
      %dma_wait3A_172 = tpu.memref_slice %arg7[%run_scoped3A_13, %dma_wait3A_171] : memref<4x32xi32, #tpu.memory_space<vmem>> -> memref<1x32xi32, #tpu.memory_space<vmem>>
      %dma_wait3A_173 = tpu.memref_squeeze %dma_wait3A_172 : memref<1x32xi32, #tpu.memory_space<vmem>> -> memref<32xi32, #tpu.memory_space<vmem>>
      %dma_wait3A_174 = tpu.memref_slice %arg3[%add3A_12] : memref<4096xi32, #tpu.memory_space<hbm>> -> memref<32xi32, #tpu.memory_space<hbm>>
      %dma_wait3A_175 = arith.constant 0 : i32
      %dma_wait3A_176 = tpu.memref_slice %arg7[%run_scoped3A_13, %dma_wait3A_175] : memref<4x32xi32, #tpu.memory_space<vmem>> -> memref<1x32xi32, #tpu.memory_space<vmem>>
      %dma_wait3A_177 = tpu.memref_squeeze %dma_wait3A_176 : memref<1x32xi32, #tpu.memory_space<vmem>> -> memref<32xi32, #tpu.memory_space<vmem>>
      %dma_wait3A_178 = tpu.memref_slice %arg3[%add3A_12] : memref<4096xi32, #tpu.memory_space<hbm>> -> memref<32xi32, #tpu.memory_space<hbm>>
      tpu.wait_dma2 semaphore(%run_scoped3A_162 : memref<!tpu.dma_semaphore, #tpu.memory_space<semaphore_mem>>) src(%dma_wait3A_178 : memref<32xi32, #tpu.memory_space<hbm>>) dst(%dma_wait3A_177 : memref<32xi32, #tpu.memory_space<vmem>>)
      tpu.yield
    }) : () -> ()
    %add3A_14 = arith.constant 0 : i32
    %add3A_15 = arith.addi %mul3A_2, %add3A_14 : i32
    %run_scoped3A_16 = arith.constant 0 : i32
    "tpu.region"() ({
      %run_scoped3A_162 = tpu.sem_alloc : memref<!tpu.dma_semaphore, #tpu.memory_space<semaphore_mem>>
      %dma_start3A_163 = arith.constant 0 : i32
      %dma_start3A_164 = tpu.memref_slice %arg8[%run_scoped3A_16, %dma_start3A_163] : memref<2x64xi32, #tpu.memory_space<vmem>> -> memref<1x64xi32, #tpu.memory_space<vmem>>
      %dma_start3A_165 = tpu.memref_squeeze %dma_start3A_164 : memref<1x64xi32, #tpu.memory_space<vmem>> -> memref<64xi32, #tpu.memory_space<vmem>>
      %dma_start3A_166 = tpu.memref_slice %arg3[%add3A_15] : memref<4096xi32, #tpu.memory_space<hbm>> -> memref<64xi32, #tpu.memory_space<hbm>>
      %dma_start3A_167 = arith.constant 0 : i32
      %dma_start3A_168 = tpu.memref_slice %arg8[%run_scoped3A_16, %dma_start3A_167] : memref<2x64xi32, #tpu.memory_space<vmem>> -> memref<1x64xi32, #tpu.memory_space<vmem>>
      %dma_start3A_169 = tpu.memref_squeeze %dma_start3A_168 : memref<1x64xi32, #tpu.memory_space<vmem>> -> memref<64xi32, #tpu.memory_space<vmem>>
      %dma_start3A_170 = tpu.memref_slice %arg3[%add3A_15] : memref<4096xi32, #tpu.memory_space<hbm>> -> memref<64xi32, #tpu.memory_space<hbm>>
      tpu.enqueue_dma source(%dma_start3A_170 : memref<64xi32, #tpu.memory_space<hbm>>) target(%dma_start3A_169 : memref<64xi32, #tpu.memory_space<vmem>>) target_semaphore(%run_scoped3A_162 : memref<!tpu.dma_semaphore, #tpu.memory_space<semaphore_mem>>)
      %dma_wait3A_171 = arith.constant 0 : i32
      %dma_wait3A_172 = tpu.memref_slice %arg8[%run_scoped3A_16, %dma_wait3A_171] : memref<2x64xi32, #tpu.memory_space<vmem>> -> memref<1x64xi32, #tpu.memory_space<vmem>>
      %dma_wait3A_173 = tpu.memref_squeeze %dma_wait3A_172 : memref<1x64xi32, #tpu.memory_space<vmem>> -> memref<64xi32, #tpu.memory_space<vmem>>
      %dma_wait3A_174 = tpu.memref_slice %arg3[%add3A_15] : memref<4096xi32, #tpu.memory_space<hbm>> -> memref<64xi32, #tpu.memory_space<hbm>>
      %dma_wait3A_175 = arith.constant 0 : i32
      %dma_wait3A_176 = tpu.memref_slice %arg8[%run_scoped3A_16, %dma_wait3A_175] : memref<2x64xi32, #tpu.memory_space<vmem>> -> memref<1x64xi32, #tpu.memory_space<vmem>>
      %dma_wait3A_177 = tpu.memref_squeeze %dma_wait3A_176 : memref<1x64xi32, #tpu.memory_space<vmem>> -> memref<64xi32, #tpu.memory_space<vmem>>
      %dma_wait3A_178 = tpu.memref_slice %arg3[%add3A_15] : memref<4096xi32, #tpu.memory_space<hbm>> -> memref<64xi32, #tpu.memory_space<hbm>>
      tpu.wait_dma2 semaphore(%run_scoped3A_162 : memref<!tpu.dma_semaphore, #tpu.memory_space<semaphore_mem>>) src(%dma_wait3A_178 : memref<64xi32, #tpu.memory_space<hbm>>) dst(%dma_wait3A_177 : memref<64xi32, #tpu.memory_space<vmem>>)
      tpu.yield
    }) : () -> ()
    %add3A_17 = arith.constant 64 : i32
    %add3A_18 = arith.addi %mul3A_2, %add3A_17 : i32
    %run_scoped3A_19 = arith.constant 1 : i32
    "tpu.region"() ({
      %run_scoped3A_162 = tpu.sem_alloc : memref<!tpu.dma_semaphore, #tpu.memory_space<semaphore_mem>>
      %dma_start3A_163 = arith.constant 0 : i32
      %dma_start3A_164 = tpu.memref_slice %arg8[%run_scoped3A_19, %dma_start3A_163] : memref<2x64xi32, #tpu.memory_space<vmem>> -> memref<1x64xi32, #tpu.memory_space<vmem>>
      %dma_start3A_165 = tpu.memref_squeeze %dma_start3A_164 : memref<1x64xi32, #tpu.memory_space<vmem>> -> memref<64xi32, #tpu.memory_space<vmem>>
      %dma_start3A_166 = tpu.memref_slice %arg3[%add3A_18] : memref<4096xi32, #tpu.memory_space<hbm>> -> memref<64xi32, #tpu.memory_space<hbm>>
      %dma_start3A_167 = arith.constant 0 : i32
      %dma_start3A_168 = tpu.memref_slice %arg8[%run_scoped3A_19, %dma_start3A_167] : memref<2x64xi32, #tpu.memory_space<vmem>> -> memref<1x64xi32, #tpu.memory_space<vmem>>
      %dma_start3A_169 = tpu.memref_squeeze %dma_start3A_168 : memref<1x64xi32, #tpu.memory_space<vmem>> -> memref<64xi32, #tpu.memory_space<vmem>>
      %dma_start3A_170 = tpu.memref_slice %arg3[%add3A_18] : memref<4096xi32, #tpu.memory_space<hbm>> -> memref<64xi32, #tpu.memory_space<hbm>>
      tpu.enqueue_dma source(%dma_start3A_170 : memref<64xi32, #tpu.memory_space<hbm>>) target(%dma_start3A_169 : memref<64xi32, #tpu.memory_space<vmem>>) target_semaphore(%run_scoped3A_162 : memref<!tpu.dma_semaphore, #tpu.memory_space<semaphore_mem>>)
      %dma_wait3A_171 = arith.constant 0 : i32
      %dma_wait3A_172 = tpu.memref_slice %arg8[%run_scoped3A_19, %dma_wait3A_171] : memref<2x64xi32, #tpu.memory_space<vmem>> -> memref<1x64xi32, #tpu.memory_space<vmem>>
      %dma_wait3A_173 = tpu.memref_squeeze %dma_wait3A_172 : memref<1x64xi32, #tpu.memory_space<vmem>> -> memref<64xi32, #tpu.memory_space<vmem>>
      %dma_wait3A_174 = tpu.memref_slice %arg3[%add3A_18] : memref<4096xi32, #tpu.memory_space<hbm>> -> memref<64xi32, #tpu.memory_space<hbm>>
      %dma_wait3A_175 = arith.constant 0 : i32
      %dma_wait3A_176 = tpu.memref_slice %arg8[%run_scoped3A_19, %dma_wait3A_175] : memref<2x64xi32, #tpu.memory_space<vmem>> -> memref<1x64xi32, #tpu.memory_space<vmem>>
      %dma_wait3A_177 = tpu.memref_squeeze %dma_wait3A_176 : memref<1x64xi32, #tpu.memory_space<vmem>> -> memref<64xi32, #tpu.memory_space<vmem>>
      %dma_wait3A_178 = tpu.memref_slice %arg3[%add3A_18] : memref<4096xi32, #tpu.memory_space<hbm>> -> memref<64xi32, #tpu.memory_space<hbm>>
      tpu.wait_dma2 semaphore(%run_scoped3A_162 : memref<!tpu.dma_semaphore, #tpu.memory_space<semaphore_mem>>) src(%dma_wait3A_178 : memref<64xi32, #tpu.memory_space<hbm>>) dst(%dma_wait3A_177 : memref<64xi32, #tpu.memory_space<vmem>>)
      tpu.yield
    }) : () -> ()
    %add3A_20 = arith.constant 0 : i32
    %add3A_21 = arith.addi %mul3A_2, %add3A_20 : i32
    %dma_start3A = arith.constant 0 : i32
    %dma_start3A_22 = tpu.memref_slice %arg4[%add3A_21, %dma_start3A] : memref<4096x128xf32, #tpu.memory_space<hbm>> -> memref<64x128xf32, #tpu.memory_space<hbm>>
    %dma_start3A_23 = arith.constant 0 : i32
    %dma_start3A_24 = tpu.memref_slice %arg4[%add3A_21, %dma_start3A_23] : memref<4096x128xf32, #tpu.memory_space<hbm>> -> memref<64x128xf32, #tpu.memory_space<hbm>>
    tpu.enqueue_dma source(%dma_start3A_24 : memref<64x128xf32, #tpu.memory_space<hbm>>) target(%arg11 : memref<64x128xf32, #tpu.memory_space<vmem>>) target_semaphore(%arg17 : memref<!tpu.dma_semaphore, #tpu.memory_space<semaphore_mem>>)
    %add3A_25 = arith.constant 64 : i32
    %add3A_26 = arith.addi %mul3A_2, %add3A_25 : i32
    %dma_start3A_27 = arith.constant 0 : i32
    %dma_start3A_28 = tpu.memref_slice %arg4[%add3A_26, %dma_start3A_27] : memref<4096x128xf32, #tpu.memory_space<hbm>> -> memref<64x128xf32, #tpu.memory_space<hbm>>
    %dma_start3A_29 = arith.constant 0 : i32
    %dma_start3A_30 = tpu.memref_slice %arg4[%add3A_26, %dma_start3A_29] : memref<4096x128xf32, #tpu.memory_space<hbm>> -> memref<64x128xf32, #tpu.memory_space<hbm>>
    tpu.enqueue_dma source(%dma_start3A_30 : memref<64x128xf32, #tpu.memory_space<hbm>>) target(%arg12 : memref<64x128xf32, #tpu.memory_space<vmem>>) target_semaphore(%arg17 : memref<!tpu.dma_semaphore, #tpu.memory_space<semaphore_mem>>)
    %add3A_31 = arith.constant 0 : i32
    %add3A_32 = arith.addi %mul3A_2, %add3A_31 : i32
    %dma_start3A_33 = arith.constant 0 : i32
    %dma_start3A_34 = tpu.memref_slice %arg2[%add3A_32, %dma_start3A_33] : memref<4096x1024xf32, #tpu.memory_space<hbm>> -> memref<32x1024xf32, #tpu.memory_space<hbm>>
    %dma_start3A_35 = arith.constant 0 : i32
    %dma_start3A_36 = tpu.memref_slice %arg2[%add3A_32, %dma_start3A_35] : memref<4096x1024xf32, #tpu.memory_space<hbm>> -> memref<32x1024xf32, #tpu.memory_space<hbm>>
    tpu.enqueue_dma source(%dma_start3A_36 : memref<32x1024xf32, #tpu.memory_space<hbm>>) target(%arg9 : memref<32x1024xf32, #tpu.memory_space<vmem>>) target_semaphore(%arg13 : memref<!tpu.dma_semaphore, #tpu.memory_space<semaphore_mem>>)
    %add3A_37 = arith.constant 32 : i32
    %add3A_38 = arith.addi %mul3A_2, %add3A_37 : i32
    %dma_start3A_39 = arith.constant 0 : i32
    %dma_start3A_40 = tpu.memref_slice %arg2[%add3A_38, %dma_start3A_39] : memref<4096x1024xf32, #tpu.memory_space<hbm>> -> memref<32x1024xf32, #tpu.memory_space<hbm>>
    %dma_start3A_41 = arith.constant 0 : i32
    %dma_start3A_42 = tpu.memref_slice %arg2[%add3A_38, %dma_start3A_41] : memref<4096x1024xf32, #tpu.memory_space<hbm>> -> memref<32x1024xf32, #tpu.memory_space<hbm>>
    tpu.enqueue_dma source(%dma_start3A_42 : memref<32x1024xf32, #tpu.memory_space<hbm>>) target(%arg10 : memref<32x1024xf32, #tpu.memory_space<vmem>>) target_semaphore(%arg14 : memref<!tpu.dma_semaphore, #tpu.memory_space<semaphore_mem>>)
    %dma_wait3A = arith.constant 0 : i32
    %dma_wait3A_43 = tpu.memref_slice %arg2[%add3A_32, %dma_wait3A] : memref<4096x1024xf32, #tpu.memory_space<hbm>> -> memref<32x1024xf32, #tpu.memory_space<hbm>>
    %dma_wait3A_44 = arith.constant 0 : i32
    %dma_wait3A_45 = tpu.memref_slice %arg2[%add3A_32, %dma_wait3A_44] : memref<4096x1024xf32, #tpu.memory_space<hbm>> -> memref<32x1024xf32, #tpu.memory_space<hbm>>
    tpu.wait_dma2 semaphore(%arg13 : memref<!tpu.dma_semaphore, #tpu.memory_space<semaphore_mem>>) src(%dma_wait3A_45 : memref<32x1024xf32, #tpu.memory_space<hbm>>) dst(%arg9 : memref<32x1024xf32, #tpu.memory_space<vmem>>)
    %dma_start3A_46 = arith.constant 0 : i32
    %dma_start3A_47 = arith.constant 0 : i32
    %dma_start3A_48 = tpu.memref_slice %arg7[%dma_start3A_46, %dma_start3A_47] : memref<4x32xi32, #tpu.memory_space<vmem>> -> memref<1x32xi32, #tpu.memory_space<vmem>>
    %dma_start3A_49 = tpu.memref_squeeze %dma_start3A_48 : memref<1x32xi32, #tpu.memory_space<vmem>> -> memref<32xi32, #tpu.memory_space<vmem>>
    %dma_start3A_50 = arith.constant 0 : i32
    %dma_start3A_51 = arith.constant 0 : i32
    %dma_start3A_52 = tpu.memref_slice %arg5[%dma_start3A_50, %dma_start3A_51] : memref<6144x1024xf32, #tpu.memory_space<hbm>> -> memref<6144x1024xf32, #tpu.memory_space<hbm>>
    tpu.enqueue_indirect_dma source(%arg9 : memref<32x1024xf32, #tpu.memory_space<vmem>>) target(%dma_start3A_52 : memref<6144x1024xf32, #tpu.memory_space<hbm>>) offsets(%dma_start3A_49 : memref<32xi32, #tpu.memory_space<vmem>>) semaphore(%arg15 : memref<!tpu.dma_semaphore, #tpu.memory_space<semaphore_mem>>)
    %dma_wait3A_53 = arith.constant 0 : i32
    %dma_wait3A_54 = arith.constant 0 : i32
    %dma_wait3A_55 = tpu.memref_slice %arg7[%dma_wait3A_53, %dma_wait3A_54] : memref<4x32xi32, #tpu.memory_space<vmem>> -> memref<1x32xi32, #tpu.memory_space<vmem>>
    %dma_wait3A_56 = tpu.memref_squeeze %dma_wait3A_55 : memref<1x32xi32, #tpu.memory_space<vmem>> -> memref<32xi32, #tpu.memory_space<vmem>>
    %dma_wait3A_57 = arith.constant 0 : i32
    %dma_wait3A_58 = arith.constant 0 : i32
    %dma_wait3A_59 = tpu.memref_slice %arg5[%dma_wait3A_57, %dma_wait3A_58] : memref<6144x1024xf32, #tpu.memory_space<hbm>> -> memref<6144x1024xf32, #tpu.memory_space<hbm>>
    tpu.wait_indirect_dma semaphore(%arg15 : memref<!tpu.dma_semaphore, #tpu.memory_space<semaphore_mem>>) src(%arg9 : memref<32x1024xf32, #tpu.memory_space<vmem>>) dst(%dma_wait3A_59 : memref<6144x1024xf32, #tpu.memory_space<hbm>>)
    %add3A_60 = arith.constant 64 : i32
    %add3A_61 = arith.addi %mul3A_2, %add3A_60 : i32
    %dma_start3A_62 = arith.constant 0 : i32
    %dma_start3A_63 = tpu.memref_slice %arg2[%add3A_61, %dma_start3A_62] : memref<4096x1024xf32, #tpu.memory_space<hbm>> -> memref<32x1024xf32, #tpu.memory_space<hbm>>
    %dma_start3A_64 = arith.constant 0 : i32
    %dma_start3A_65 = tpu.memref_slice %arg2[%add3A_61, %dma_start3A_64] : memref<4096x1024xf32, #tpu.memory_space<hbm>> -> memref<32x1024xf32, #tpu.memory_space<hbm>>
    tpu.enqueue_dma source(%dma_start3A_65 : memref<32x1024xf32, #tpu.memory_space<hbm>>) target(%arg9 : memref<32x1024xf32, #tpu.memory_space<vmem>>) target_semaphore(%arg13 : memref<!tpu.dma_semaphore, #tpu.memory_space<semaphore_mem>>)
    %dma_wait3A_66 = arith.constant 0 : i32
    %dma_wait3A_67 = tpu.memref_slice %arg2[%add3A_38, %dma_wait3A_66] : memref<4096x1024xf32, #tpu.memory_space<hbm>> -> memref<32x1024xf32, #tpu.memory_space<hbm>>
    %dma_wait3A_68 = arith.constant 0 : i32
    %dma_wait3A_69 = tpu.memref_slice %arg2[%add3A_38, %dma_wait3A_68] : memref<4096x1024xf32, #tpu.memory_space<hbm>> -> memref<32x1024xf32, #tpu.memory_space<hbm>>
    tpu.wait_dma2 semaphore(%arg14 : memref<!tpu.dma_semaphore, #tpu.memory_space<semaphore_mem>>) src(%dma_wait3A_69 : memref<32x1024xf32, #tpu.memory_space<hbm>>) dst(%arg10 : memref<32x1024xf32, #tpu.memory_space<vmem>>)
    %dma_start3A_70 = arith.constant 1 : i32
    %dma_start3A_71 = arith.constant 0 : i32
    %dma_start3A_72 = tpu.memref_slice %arg7[%dma_start3A_70, %dma_start3A_71] : memref<4x32xi32, #tpu.memory_space<vmem>> -> memref<1x32xi32, #tpu.memory_space<vmem>>
    %dma_start3A_73 = tpu.memref_squeeze %dma_start3A_72 : memref<1x32xi32, #tpu.memory_space<vmem>> -> memref<32xi32, #tpu.memory_space<vmem>>
    %dma_start3A_74 = arith.constant 0 : i32
    %dma_start3A_75 = arith.constant 0 : i32
    %dma_start3A_76 = tpu.memref_slice %arg5[%dma_start3A_74, %dma_start3A_75] : memref<6144x1024xf32, #tpu.memory_space<hbm>> -> memref<6144x1024xf32, #tpu.memory_space<hbm>>
    tpu.enqueue_indirect_dma source(%arg10 : memref<32x1024xf32, #tpu.memory_space<vmem>>) target(%dma_start3A_76 : memref<6144x1024xf32, #tpu.memory_space<hbm>>) offsets(%dma_start3A_73 : memref<32xi32, #tpu.memory_space<vmem>>) semaphore(%arg16 : memref<!tpu.dma_semaphore, #tpu.memory_space<semaphore_mem>>)
    %dma_wait3A_77 = arith.constant 1 : i32
    %dma_wait3A_78 = arith.constant 0 : i32
    %dma_wait3A_79 = tpu.memref_slice %arg7[%dma_wait3A_77, %dma_wait3A_78] : memref<4x32xi32, #tpu.memory_space<vmem>> -> memref<1x32xi32, #tpu.memory_space<vmem>>
    %dma_wait3A_80 = tpu.memref_squeeze %dma_wait3A_79 : memref<1x32xi32, #tpu.memory_space<vmem>> -> memref<32xi32, #tpu.memory_space<vmem>>
    %dma_wait3A_81 = arith.constant 0 : i32
    %dma_wait3A_82 = arith.constant 0 : i32
    %dma_wait3A_83 = tpu.memref_slice %arg5[%dma_wait3A_81, %dma_wait3A_82] : memref<6144x1024xf32, #tpu.memory_space<hbm>> -> memref<6144x1024xf32, #tpu.memory_space<hbm>>
    tpu.wait_indirect_dma semaphore(%arg16 : memref<!tpu.dma_semaphore, #tpu.memory_space<semaphore_mem>>) src(%arg10 : memref<32x1024xf32, #tpu.memory_space<vmem>>) dst(%dma_wait3A_83 : memref<6144x1024xf32, #tpu.memory_space<hbm>>)
    %add3A_84 = arith.constant 96 : i32
    %add3A_85 = arith.addi %mul3A_2, %add3A_84 : i32
    %dma_start3A_86 = arith.constant 0 : i32
    %dma_start3A_87 = tpu.memref_slice %arg2[%add3A_85, %dma_start3A_86] : memref<4096x1024xf32, #tpu.memory_space<hbm>> -> memref<32x1024xf32, #tpu.memory_space<hbm>>
    %dma_start3A_88 = arith.constant 0 : i32
    %dma_start3A_89 = tpu.memref_slice %arg2[%add3A_85, %dma_start3A_88] : memref<4096x1024xf32, #tpu.memory_space<hbm>> -> memref<32x1024xf32, #tpu.memory_space<hbm>>
    tpu.enqueue_dma source(%dma_start3A_89 : memref<32x1024xf32, #tpu.memory_space<hbm>>) target(%arg10 : memref<32x1024xf32, #tpu.memory_space<vmem>>) target_semaphore(%arg14 : memref<!tpu.dma_semaphore, #tpu.memory_space<semaphore_mem>>)
    %dma_wait3A_90 = arith.constant 0 : i32
    %dma_wait3A_91 = tpu.memref_slice %arg2[%add3A_61, %dma_wait3A_90] : memref<4096x1024xf32, #tpu.memory_space<hbm>> -> memref<32x1024xf32, #tpu.memory_space<hbm>>
    %dma_wait3A_92 = arith.constant 0 : i32
    %dma_wait3A_93 = tpu.memref_slice %arg2[%add3A_61, %dma_wait3A_92] : memref<4096x1024xf32, #tpu.memory_space<hbm>> -> memref<32x1024xf32, #tpu.memory_space<hbm>>
    tpu.wait_dma2 semaphore(%arg13 : memref<!tpu.dma_semaphore, #tpu.memory_space<semaphore_mem>>) src(%dma_wait3A_93 : memref<32x1024xf32, #tpu.memory_space<hbm>>) dst(%arg9 : memref<32x1024xf32, #tpu.memory_space<vmem>>)
    %dma_start3A_94 = arith.constant 2 : i32
    %dma_start3A_95 = arith.constant 0 : i32
    %dma_start3A_96 = tpu.memref_slice %arg7[%dma_start3A_94, %dma_start3A_95] : memref<4x32xi32, #tpu.memory_space<vmem>> -> memref<1x32xi32, #tpu.memory_space<vmem>>
    %dma_start3A_97 = tpu.memref_squeeze %dma_start3A_96 : memref<1x32xi32, #tpu.memory_space<vmem>> -> memref<32xi32, #tpu.memory_space<vmem>>
    %dma_start3A_98 = arith.constant 0 : i32
    %dma_start3A_99 = arith.constant 0 : i32
    %dma_start3A_100 = tpu.memref_slice %arg5[%dma_start3A_98, %dma_start3A_99] : memref<6144x1024xf32, #tpu.memory_space<hbm>> -> memref<6144x1024xf32, #tpu.memory_space<hbm>>
    tpu.enqueue_indirect_dma source(%arg9 : memref<32x1024xf32, #tpu.memory_space<vmem>>) target(%dma_start3A_100 : memref<6144x1024xf32, #tpu.memory_space<hbm>>) offsets(%dma_start3A_97 : memref<32xi32, #tpu.memory_space<vmem>>) semaphore(%arg15 : memref<!tpu.dma_semaphore, #tpu.memory_space<semaphore_mem>>)
    %dma_wait3A_101 = arith.constant 0 : i32
    %dma_wait3A_102 = tpu.memref_slice %arg2[%add3A_85, %dma_wait3A_101] : memref<4096x1024xf32, #tpu.memory_space<hbm>> -> memref<32x1024xf32, #tpu.memory_space<hbm>>
    %dma_wait3A_103 = arith.constant 0 : i32
    %dma_wait3A_104 = tpu.memref_slice %arg2[%add3A_85, %dma_wait3A_103] : memref<4096x1024xf32, #tpu.memory_space<hbm>> -> memref<32x1024xf32, #tpu.memory_space<hbm>>
    tpu.wait_dma2 semaphore(%arg14 : memref<!tpu.dma_semaphore, #tpu.memory_space<semaphore_mem>>) src(%dma_wait3A_104 : memref<32x1024xf32, #tpu.memory_space<hbm>>) dst(%arg10 : memref<32x1024xf32, #tpu.memory_space<vmem>>)
    %dma_start3A_105 = arith.constant 3 : i32
    %dma_start3A_106 = arith.constant 0 : i32
    %dma_start3A_107 = tpu.memref_slice %arg7[%dma_start3A_105, %dma_start3A_106] : memref<4x32xi32, #tpu.memory_space<vmem>> -> memref<1x32xi32, #tpu.memory_space<vmem>>
    %dma_start3A_108 = tpu.memref_squeeze %dma_start3A_107 : memref<1x32xi32, #tpu.memory_space<vmem>> -> memref<32xi32, #tpu.memory_space<vmem>>
    %dma_start3A_109 = arith.constant 0 : i32
    %dma_start3A_110 = arith.constant 0 : i32
    %dma_start3A_111 = tpu.memref_slice %arg5[%dma_start3A_109, %dma_start3A_110] : memref<6144x1024xf32, #tpu.memory_space<hbm>> -> memref<6144x1024xf32, #tpu.memory_space<hbm>>
    tpu.enqueue_indirect_dma source(%arg10 : memref<32x1024xf32, #tpu.memory_space<vmem>>) target(%dma_start3A_111 : memref<6144x1024xf32, #tpu.memory_space<hbm>>) offsets(%dma_start3A_108 : memref<32xi32, #tpu.memory_space<vmem>>) semaphore(%arg16 : memref<!tpu.dma_semaphore, #tpu.memory_space<semaphore_mem>>)
    %dma_wait3A_112 = arith.constant 2 : i32
    %dma_wait3A_113 = arith.constant 0 : i32
    %dma_wait3A_114 = tpu.memref_slice %arg7[%dma_wait3A_112, %dma_wait3A_113] : memref<4x32xi32, #tpu.memory_space<vmem>> -> memref<1x32xi32, #tpu.memory_space<vmem>>
    %dma_wait3A_115 = tpu.memref_squeeze %dma_wait3A_114 : memref<1x32xi32, #tpu.memory_space<vmem>> -> memref<32xi32, #tpu.memory_space<vmem>>
    %dma_wait3A_116 = arith.constant 0 : i32
    %dma_wait3A_117 = arith.constant 0 : i32
    %dma_wait3A_118 = tpu.memref_slice %arg5[%dma_wait3A_116, %dma_wait3A_117] : memref<6144x1024xf32, #tpu.memory_space<hbm>> -> memref<6144x1024xf32, #tpu.memory_space<hbm>>
    tpu.wait_indirect_dma semaphore(%arg15 : memref<!tpu.dma_semaphore, #tpu.memory_space<semaphore_mem>>) src(%arg9 : memref<32x1024xf32, #tpu.memory_space<vmem>>) dst(%dma_wait3A_118 : memref<6144x1024xf32, #tpu.memory_space<hbm>>)
    %dma_wait3A_119 = arith.constant 3 : i32
    %dma_wait3A_120 = arith.constant 0 : i32
    %dma_wait3A_121 = tpu.memref_slice %arg7[%dma_wait3A_119, %dma_wait3A_120] : memref<4x32xi32, #tpu.memory_space<vmem>> -> memref<1x32xi32, #tpu.memory_space<vmem>>
    %dma_wait3A_122 = tpu.memref_squeeze %dma_wait3A_121 : memref<1x32xi32, #tpu.memory_space<vmem>> -> memref<32xi32, #tpu.memory_space<vmem>>
    %dma_wait3A_123 = arith.constant 0 : i32
    %dma_wait3A_124 = arith.constant 0 : i32
    %dma_wait3A_125 = tpu.memref_slice %arg5[%dma_wait3A_123, %dma_wait3A_124] : memref<6144x1024xf32, #tpu.memory_space<hbm>> -> memref<6144x1024xf32, #tpu.memory_space<hbm>>
    tpu.wait_indirect_dma semaphore(%arg16 : memref<!tpu.dma_semaphore, #tpu.memory_space<semaphore_mem>>) src(%arg10 : memref<32x1024xf32, #tpu.memory_space<vmem>>) dst(%dma_wait3A_125 : memref<6144x1024xf32, #tpu.memory_space<hbm>>)
    %dma_wait3A_126 = arith.constant 0 : i32
    %dma_wait3A_127 = tpu.memref_slice %arg4[%add3A_21, %dma_wait3A_126] : memref<4096x128xf32, #tpu.memory_space<hbm>> -> memref<64x128xf32, #tpu.memory_space<hbm>>
    %dma_wait3A_128 = arith.constant 0 : i32
    %dma_wait3A_129 = tpu.memref_slice %arg4[%add3A_21, %dma_wait3A_128] : memref<4096x128xf32, #tpu.memory_space<hbm>> -> memref<64x128xf32, #tpu.memory_space<hbm>>
    tpu.wait_dma2 semaphore(%arg17 : memref<!tpu.dma_semaphore, #tpu.memory_space<semaphore_mem>>) src(%dma_wait3A_129 : memref<64x128xf32, #tpu.memory_space<hbm>>) dst(%arg11 : memref<64x128xf32, #tpu.memory_space<vmem>>)
    %dma_start3A_130 = arith.constant 0 : i32
    %dma_start3A_131 = arith.constant 0 : i32
    %dma_start3A_132 = tpu.memref_slice %arg8[%dma_start3A_130, %dma_start3A_131] : memref<2x64xi32, #tpu.memory_space<vmem>> -> memref<1x64xi32, #tpu.memory_space<vmem>>
    %dma_start3A_133 = tpu.memref_squeeze %dma_start3A_132 : memref<1x64xi32, #tpu.memory_space<vmem>> -> memref<64xi32, #tpu.memory_space<vmem>>
    %dma_start3A_134 = arith.constant 0 : i32
    %dma_start3A_135 = arith.constant 0 : i32
    %dma_start3A_136 = tpu.memref_slice %arg6[%dma_start3A_134, %dma_start3A_135] : memref<6144x128xf32, #tpu.memory_space<hbm>> -> memref<6144x128xf32, #tpu.memory_space<hbm>>
    tpu.enqueue_indirect_dma source(%arg11 : memref<64x128xf32, #tpu.memory_space<vmem>>) target(%dma_start3A_136 : memref<6144x128xf32, #tpu.memory_space<hbm>>) offsets(%dma_start3A_133 : memref<64xi32, #tpu.memory_space<vmem>>) semaphore(%arg17 : memref<!tpu.dma_semaphore, #tpu.memory_space<semaphore_mem>>)
    %dma_wait3A_137 = arith.constant 0 : i32
    %dma_wait3A_138 = tpu.memref_slice %arg4[%add3A_26, %dma_wait3A_137] : memref<4096x128xf32, #tpu.memory_space<hbm>> -> memref<64x128xf32, #tpu.memory_space<hbm>>
    %dma_wait3A_139 = arith.constant 0 : i32
    %dma_wait3A_140 = tpu.memref_slice %arg4[%add3A_26, %dma_wait3A_139] : memref<4096x128xf32, #tpu.memory_space<hbm>> -> memref<64x128xf32, #tpu.memory_space<hbm>>
    tpu.wait_dma2 semaphore(%arg17 : memref<!tpu.dma_semaphore, #tpu.memory_space<semaphore_mem>>) src(%dma_wait3A_140 : memref<64x128xf32, #tpu.memory_space<hbm>>) dst(%arg12 : memref<64x128xf32, #tpu.memory_space<vmem>>)
    %dma_start3A_141 = arith.constant 1 : i32
    %dma_start3A_142 = arith.constant 0 : i32
    %dma_start3A_143 = tpu.memref_slice %arg8[%dma_start3A_141, %dma_start3A_142] : memref<2x64xi32, #tpu.memory_space<vmem>> -> memref<1x64xi32, #tpu.memory_space<vmem>>
    %dma_start3A_144 = tpu.memref_squeeze %dma_start3A_143 : memref<1x64xi32, #tpu.memory_space<vmem>> -> memref<64xi32, #tpu.memory_space<vmem>>
    %dma_start3A_145 = arith.constant 0 : i32
    %dma_start3A_146 = arith.constant 0 : i32
    %dma_start3A_147 = tpu.memref_slice %arg6[%dma_start3A_145, %dma_start3A_146] : memref<6144x128xf32, #tpu.memory_space<hbm>> -> memref<6144x128xf32, #tpu.memory_space<hbm>>
    tpu.enqueue_indirect_dma source(%arg12 : memref<64x128xf32, #tpu.memory_space<vmem>>) target(%dma_start3A_147 : memref<6144x128xf32, #tpu.memory_space<hbm>>) offsets(%dma_start3A_144 : memref<64xi32, #tpu.memory_space<vmem>>) semaphore(%arg17 : memref<!tpu.dma_semaphore, #tpu.memory_space<semaphore_mem>>)
    %dma_wait3A_148 = arith.constant 0 : i32
    %dma_wait3A_149 = arith.constant 0 : i32
    %dma_wait3A_150 = tpu.memref_slice %arg8[%dma_wait3A_148, %dma_wait3A_149] : memref<2x64xi32, #tpu.memory_space<vmem>> -> memref<1x64xi32, #tpu.memory_space<vmem>>
    %dma_wait3A_151 = tpu.memref_squeeze %dma_wait3A_150 : memref<1x64xi32, #tpu.memory_space<vmem>> -> memref<64xi32, #tpu.memory_space<vmem>>
    %dma_wait3A_152 = arith.constant 0 : i32
    %dma_wait3A_153 = arith.constant 0 : i32
    %dma_wait3A_154 = tpu.memref_slice %arg6[%dma_wait3A_152, %dma_wait3A_153] : memref<6144x128xf32, #tpu.memory_space<hbm>> -> memref<6144x128xf32, #tpu.memory_space<hbm>>
    tpu.wait_indirect_dma semaphore(%arg17 : memref<!tpu.dma_semaphore, #tpu.memory_space<semaphore_mem>>) src(%arg11 : memref<64x128xf32, #tpu.memory_space<vmem>>) dst(%dma_wait3A_154 : memref<6144x128xf32, #tpu.memory_space<hbm>>)
    %dma_wait3A_155 = arith.constant 1 : i32
    %dma_wait3A_156 = arith.constant 0 : i32
    %dma_wait3A_157 = tpu.memref_slice %arg8[%dma_wait3A_155, %dma_wait3A_156] : memref<2x64xi32, #tpu.memory_space<vmem>> -> memref<1x64xi32, #tpu.memory_space<vmem>>
    %dma_wait3A_158 = tpu.memref_squeeze %dma_wait3A_157 : memref<1x64xi32, #tpu.memory_space<vmem>> -> memref<64xi32, #tpu.memory_space<vmem>>
    %dma_wait3A_159 = arith.constant 0 : i32
    %dma_wait3A_160 = arith.constant 0 : i32
    %dma_wait3A_161 = tpu.memref_slice %arg6[%dma_wait3A_159, %dma_wait3A_160] : memref<6144x128xf32, #tpu.memory_space<hbm>> -> memref<6144x128xf32, #tpu.memory_space<hbm>>
    tpu.wait_indirect_dma semaphore(%arg17 : memref<!tpu.dma_semaphore, #tpu.memory_space<semaphore_mem>>) src(%arg12 : memref<64x128xf32, #tpu.memory_space<vmem>>) dst(%dma_wait3A_161 : memref<6144x128xf32, #tpu.memory_space<hbm>>)
    return
  }
}

#map = affine_map<(d0, d1) -> (0, 0)>
#map1 = affine_map<(d0, d1) -> (0)>
module attributes {stable_mosaic.version = 14 : i64} {
  func.func @_sc_gather_combine(%arg0: i32, %arg1: i32, %arg2: memref<6144x1024xf32, #tpu.memory_space<hbm>>, %arg3: memref<4096xi32, #tpu.memory_space<hbm>>, %arg4: memref<4096x1024xf32, #tpu.memory_space<hbm>>, %arg5: memref<4x32xi32, #tpu.memory_space<vmem>>, %arg6: memref<32x1024xf32, #tpu.memory_space<vmem>>, %arg7: memref<32x1024xf32, #tpu.memory_space<vmem>>, %arg8: memref<!tpu.dma_semaphore, #tpu.memory_space<semaphore_mem>>, %arg9: memref<!tpu.dma_semaphore, #tpu.memory_space<semaphore_mem>>, %arg10: memref<!tpu.dma_semaphore, #tpu.memory_space<semaphore_mem>>, %arg11: memref<!tpu.dma_semaphore, #tpu.memory_space<semaphore_mem>>) attributes {dimension_semantics = [#tpu.dimension_semantics<core_parallel>, #tpu.dimension_semantics<subcore_parallel>], iteration_bounds = array<i64: 2, 16>, scalar_prefetch = 0 : i64, scratch_operands = 7 : i64, tpu.core_type = #tpu.core_type<sc_vector_subcore>, window_params = [{transform_indices = #map}, {transform_indices = #map1}, {transform_indices = #map}]} {
    %mul3A = arith.constant 2 : i32
    %mul3A_0 = arith.muli %arg1, %mul3A : i32
    %add3A = arith.addi %mul3A_0, %arg0 : i32
    %mul3A_1 = arith.constant 128 : i32
    %mul3A_2 = arith.muli %add3A, %mul3A_1 : i32
    %add3A_3 = arith.constant 0 : i32
    %add3A_4 = arith.addi %mul3A_2, %add3A_3 : i32
    %run_scoped3A = arith.constant 0 : i32
    "tpu.region"() ({
      %run_scoped3A_108 = tpu.sem_alloc : memref<!tpu.dma_semaphore, #tpu.memory_space<semaphore_mem>>
      %dma_start3A_109 = arith.constant 0 : i32
      %dma_start3A_110 = tpu.memref_slice %arg5[%run_scoped3A, %dma_start3A_109] : memref<4x32xi32, #tpu.memory_space<vmem>> -> memref<1x32xi32, #tpu.memory_space<vmem>>
      %dma_start3A_111 = tpu.memref_squeeze %dma_start3A_110 : memref<1x32xi32, #tpu.memory_space<vmem>> -> memref<32xi32, #tpu.memory_space<vmem>>
      %dma_start3A_112 = tpu.memref_slice %arg3[%add3A_4] : memref<4096xi32, #tpu.memory_space<hbm>> -> memref<32xi32, #tpu.memory_space<hbm>>
      %dma_start3A_113 = arith.constant 0 : i32
      %dma_start3A_114 = tpu.memref_slice %arg5[%run_scoped3A, %dma_start3A_113] : memref<4x32xi32, #tpu.memory_space<vmem>> -> memref<1x32xi32, #tpu.memory_space<vmem>>
      %dma_start3A_115 = tpu.memref_squeeze %dma_start3A_114 : memref<1x32xi32, #tpu.memory_space<vmem>> -> memref<32xi32, #tpu.memory_space<vmem>>
      %dma_start3A_116 = tpu.memref_slice %arg3[%add3A_4] : memref<4096xi32, #tpu.memory_space<hbm>> -> memref<32xi32, #tpu.memory_space<hbm>>
      tpu.enqueue_dma source(%dma_start3A_116 : memref<32xi32, #tpu.memory_space<hbm>>) target(%dma_start3A_115 : memref<32xi32, #tpu.memory_space<vmem>>) target_semaphore(%run_scoped3A_108 : memref<!tpu.dma_semaphore, #tpu.memory_space<semaphore_mem>>)
      %dma_wait3A_117 = arith.constant 0 : i32
      %dma_wait3A_118 = tpu.memref_slice %arg5[%run_scoped3A, %dma_wait3A_117] : memref<4x32xi32, #tpu.memory_space<vmem>> -> memref<1x32xi32, #tpu.memory_space<vmem>>
      %dma_wait3A_119 = tpu.memref_squeeze %dma_wait3A_118 : memref<1x32xi32, #tpu.memory_space<vmem>> -> memref<32xi32, #tpu.memory_space<vmem>>
      %dma_wait3A_120 = tpu.memref_slice %arg3[%add3A_4] : memref<4096xi32, #tpu.memory_space<hbm>> -> memref<32xi32, #tpu.memory_space<hbm>>
      %dma_wait3A_121 = arith.constant 0 : i32
      %dma_wait3A_122 = tpu.memref_slice %arg5[%run_scoped3A, %dma_wait3A_121] : memref<4x32xi32, #tpu.memory_space<vmem>> -> memref<1x32xi32, #tpu.memory_space<vmem>>
      %dma_wait3A_123 = tpu.memref_squeeze %dma_wait3A_122 : memref<1x32xi32, #tpu.memory_space<vmem>> -> memref<32xi32, #tpu.memory_space<vmem>>
      %dma_wait3A_124 = tpu.memref_slice %arg3[%add3A_4] : memref<4096xi32, #tpu.memory_space<hbm>> -> memref<32xi32, #tpu.memory_space<hbm>>
      tpu.wait_dma2 semaphore(%run_scoped3A_108 : memref<!tpu.dma_semaphore, #tpu.memory_space<semaphore_mem>>) src(%dma_wait3A_124 : memref<32xi32, #tpu.memory_space<hbm>>) dst(%dma_wait3A_123 : memref<32xi32, #tpu.memory_space<vmem>>)
      tpu.yield
    }) : () -> ()
    %add3A_5 = arith.constant 32 : i32
    %add3A_6 = arith.addi %mul3A_2, %add3A_5 : i32
    %run_scoped3A_7 = arith.constant 1 : i32
    "tpu.region"() ({
      %run_scoped3A_108 = tpu.sem_alloc : memref<!tpu.dma_semaphore, #tpu.memory_space<semaphore_mem>>
      %dma_start3A_109 = arith.constant 0 : i32
      %dma_start3A_110 = tpu.memref_slice %arg5[%run_scoped3A_7, %dma_start3A_109] : memref<4x32xi32, #tpu.memory_space<vmem>> -> memref<1x32xi32, #tpu.memory_space<vmem>>
      %dma_start3A_111 = tpu.memref_squeeze %dma_start3A_110 : memref<1x32xi32, #tpu.memory_space<vmem>> -> memref<32xi32, #tpu.memory_space<vmem>>
      %dma_start3A_112 = tpu.memref_slice %arg3[%add3A_6] : memref<4096xi32, #tpu.memory_space<hbm>> -> memref<32xi32, #tpu.memory_space<hbm>>
      %dma_start3A_113 = arith.constant 0 : i32
      %dma_start3A_114 = tpu.memref_slice %arg5[%run_scoped3A_7, %dma_start3A_113] : memref<4x32xi32, #tpu.memory_space<vmem>> -> memref<1x32xi32, #tpu.memory_space<vmem>>
      %dma_start3A_115 = tpu.memref_squeeze %dma_start3A_114 : memref<1x32xi32, #tpu.memory_space<vmem>> -> memref<32xi32, #tpu.memory_space<vmem>>
      %dma_start3A_116 = tpu.memref_slice %arg3[%add3A_6] : memref<4096xi32, #tpu.memory_space<hbm>> -> memref<32xi32, #tpu.memory_space<hbm>>
      tpu.enqueue_dma source(%dma_start3A_116 : memref<32xi32, #tpu.memory_space<hbm>>) target(%dma_start3A_115 : memref<32xi32, #tpu.memory_space<vmem>>) target_semaphore(%run_scoped3A_108 : memref<!tpu.dma_semaphore, #tpu.memory_space<semaphore_mem>>)
      %dma_wait3A_117 = arith.constant 0 : i32
      %dma_wait3A_118 = tpu.memref_slice %arg5[%run_scoped3A_7, %dma_wait3A_117] : memref<4x32xi32, #tpu.memory_space<vmem>> -> memref<1x32xi32, #tpu.memory_space<vmem>>
      %dma_wait3A_119 = tpu.memref_squeeze %dma_wait3A_118 : memref<1x32xi32, #tpu.memory_space<vmem>> -> memref<32xi32, #tpu.memory_space<vmem>>
      %dma_wait3A_120 = tpu.memref_slice %arg3[%add3A_6] : memref<4096xi32, #tpu.memory_space<hbm>> -> memref<32xi32, #tpu.memory_space<hbm>>
      %dma_wait3A_121 = arith.constant 0 : i32
      %dma_wait3A_122 = tpu.memref_slice %arg5[%run_scoped3A_7, %dma_wait3A_121] : memref<4x32xi32, #tpu.memory_space<vmem>> -> memref<1x32xi32, #tpu.memory_space<vmem>>
      %dma_wait3A_123 = tpu.memref_squeeze %dma_wait3A_122 : memref<1x32xi32, #tpu.memory_space<vmem>> -> memref<32xi32, #tpu.memory_space<vmem>>
      %dma_wait3A_124 = tpu.memref_slice %arg3[%add3A_6] : memref<4096xi32, #tpu.memory_space<hbm>> -> memref<32xi32, #tpu.memory_space<hbm>>
      tpu.wait_dma2 semaphore(%run_scoped3A_108 : memref<!tpu.dma_semaphore, #tpu.memory_space<semaphore_mem>>) src(%dma_wait3A_124 : memref<32xi32, #tpu.memory_space<hbm>>) dst(%dma_wait3A_123 : memref<32xi32, #tpu.memory_space<vmem>>)
      tpu.yield
    }) : () -> ()
    %add3A_8 = arith.constant 64 : i32
    %add3A_9 = arith.addi %mul3A_2, %add3A_8 : i32
    %run_scoped3A_10 = arith.constant 2 : i32
    "tpu.region"() ({
      %run_scoped3A_108 = tpu.sem_alloc : memref<!tpu.dma_semaphore, #tpu.memory_space<semaphore_mem>>
      %dma_start3A_109 = arith.constant 0 : i32
      %dma_start3A_110 = tpu.memref_slice %arg5[%run_scoped3A_10, %dma_start3A_109] : memref<4x32xi32, #tpu.memory_space<vmem>> -> memref<1x32xi32, #tpu.memory_space<vmem>>
      %dma_start3A_111 = tpu.memref_squeeze %dma_start3A_110 : memref<1x32xi32, #tpu.memory_space<vmem>> -> memref<32xi32, #tpu.memory_space<vmem>>
      %dma_start3A_112 = tpu.memref_slice %arg3[%add3A_9] : memref<4096xi32, #tpu.memory_space<hbm>> -> memref<32xi32, #tpu.memory_space<hbm>>
      %dma_start3A_113 = arith.constant 0 : i32
      %dma_start3A_114 = tpu.memref_slice %arg5[%run_scoped3A_10, %dma_start3A_113] : memref<4x32xi32, #tpu.memory_space<vmem>> -> memref<1x32xi32, #tpu.memory_space<vmem>>
      %dma_start3A_115 = tpu.memref_squeeze %dma_start3A_114 : memref<1x32xi32, #tpu.memory_space<vmem>> -> memref<32xi32, #tpu.memory_space<vmem>>
      %dma_start3A_116 = tpu.memref_slice %arg3[%add3A_9] : memref<4096xi32, #tpu.memory_space<hbm>> -> memref<32xi32, #tpu.memory_space<hbm>>
      tpu.enqueue_dma source(%dma_start3A_116 : memref<32xi32, #tpu.memory_space<hbm>>) target(%dma_start3A_115 : memref<32xi32, #tpu.memory_space<vmem>>) target_semaphore(%run_scoped3A_108 : memref<!tpu.dma_semaphore, #tpu.memory_space<semaphore_mem>>)
      %dma_wait3A_117 = arith.constant 0 : i32
      %dma_wait3A_118 = tpu.memref_slice %arg5[%run_scoped3A_10, %dma_wait3A_117] : memref<4x32xi32, #tpu.memory_space<vmem>> -> memref<1x32xi32, #tpu.memory_space<vmem>>
      %dma_wait3A_119 = tpu.memref_squeeze %dma_wait3A_118 : memref<1x32xi32, #tpu.memory_space<vmem>> -> memref<32xi32, #tpu.memory_space<vmem>>
      %dma_wait3A_120 = tpu.memref_slice %arg3[%add3A_9] : memref<4096xi32, #tpu.memory_space<hbm>> -> memref<32xi32, #tpu.memory_space<hbm>>
      %dma_wait3A_121 = arith.constant 0 : i32
      %dma_wait3A_122 = tpu.memref_slice %arg5[%run_scoped3A_10, %dma_wait3A_121] : memref<4x32xi32, #tpu.memory_space<vmem>> -> memref<1x32xi32, #tpu.memory_space<vmem>>
      %dma_wait3A_123 = tpu.memref_squeeze %dma_wait3A_122 : memref<1x32xi32, #tpu.memory_space<vmem>> -> memref<32xi32, #tpu.memory_space<vmem>>
      %dma_wait3A_124 = tpu.memref_slice %arg3[%add3A_9] : memref<4096xi32, #tpu.memory_space<hbm>> -> memref<32xi32, #tpu.memory_space<hbm>>
      tpu.wait_dma2 semaphore(%run_scoped3A_108 : memref<!tpu.dma_semaphore, #tpu.memory_space<semaphore_mem>>) src(%dma_wait3A_124 : memref<32xi32, #tpu.memory_space<hbm>>) dst(%dma_wait3A_123 : memref<32xi32, #tpu.memory_space<vmem>>)
      tpu.yield
    }) : () -> ()
    %add3A_11 = arith.constant 96 : i32
    %add3A_12 = arith.addi %mul3A_2, %add3A_11 : i32
    %run_scoped3A_13 = arith.constant 3 : i32
    "tpu.region"() ({
      %run_scoped3A_108 = tpu.sem_alloc : memref<!tpu.dma_semaphore, #tpu.memory_space<semaphore_mem>>
      %dma_start3A_109 = arith.constant 0 : i32
      %dma_start3A_110 = tpu.memref_slice %arg5[%run_scoped3A_13, %dma_start3A_109] : memref<4x32xi32, #tpu.memory_space<vmem>> -> memref<1x32xi32, #tpu.memory_space<vmem>>
      %dma_start3A_111 = tpu.memref_squeeze %dma_start3A_110 : memref<1x32xi32, #tpu.memory_space<vmem>> -> memref<32xi32, #tpu.memory_space<vmem>>
      %dma_start3A_112 = tpu.memref_slice %arg3[%add3A_12] : memref<4096xi32, #tpu.memory_space<hbm>> -> memref<32xi32, #tpu.memory_space<hbm>>
      %dma_start3A_113 = arith.constant 0 : i32
      %dma_start3A_114 = tpu.memref_slice %arg5[%run_scoped3A_13, %dma_start3A_113] : memref<4x32xi32, #tpu.memory_space<vmem>> -> memref<1x32xi32, #tpu.memory_space<vmem>>
      %dma_start3A_115 = tpu.memref_squeeze %dma_start3A_114 : memref<1x32xi32, #tpu.memory_space<vmem>> -> memref<32xi32, #tpu.memory_space<vmem>>
      %dma_start3A_116 = tpu.memref_slice %arg3[%add3A_12] : memref<4096xi32, #tpu.memory_space<hbm>> -> memref<32xi32, #tpu.memory_space<hbm>>
      tpu.enqueue_dma source(%dma_start3A_116 : memref<32xi32, #tpu.memory_space<hbm>>) target(%dma_start3A_115 : memref<32xi32, #tpu.memory_space<vmem>>) target_semaphore(%run_scoped3A_108 : memref<!tpu.dma_semaphore, #tpu.memory_space<semaphore_mem>>)
      %dma_wait3A_117 = arith.constant 0 : i32
      %dma_wait3A_118 = tpu.memref_slice %arg5[%run_scoped3A_13, %dma_wait3A_117] : memref<4x32xi32, #tpu.memory_space<vmem>> -> memref<1x32xi32, #tpu.memory_space<vmem>>
      %dma_wait3A_119 = tpu.memref_squeeze %dma_wait3A_118 : memref<1x32xi32, #tpu.memory_space<vmem>> -> memref<32xi32, #tpu.memory_space<vmem>>
      %dma_wait3A_120 = tpu.memref_slice %arg3[%add3A_12] : memref<4096xi32, #tpu.memory_space<hbm>> -> memref<32xi32, #tpu.memory_space<hbm>>
      %dma_wait3A_121 = arith.constant 0 : i32
      %dma_wait3A_122 = tpu.memref_slice %arg5[%run_scoped3A_13, %dma_wait3A_121] : memref<4x32xi32, #tpu.memory_space<vmem>> -> memref<1x32xi32, #tpu.memory_space<vmem>>
      %dma_wait3A_123 = tpu.memref_squeeze %dma_wait3A_122 : memref<1x32xi32, #tpu.memory_space<vmem>> -> memref<32xi32, #tpu.memory_space<vmem>>
      %dma_wait3A_124 = tpu.memref_slice %arg3[%add3A_12] : memref<4096xi32, #tpu.memory_space<hbm>> -> memref<32xi32, #tpu.memory_space<hbm>>
      tpu.wait_dma2 semaphore(%run_scoped3A_108 : memref<!tpu.dma_semaphore, #tpu.memory_space<semaphore_mem>>) src(%dma_wait3A_124 : memref<32xi32, #tpu.memory_space<hbm>>) dst(%dma_wait3A_123 : memref<32xi32, #tpu.memory_space<vmem>>)
      tpu.yield
    }) : () -> ()
    %dma_start3A = arith.constant 0 : i32
    %dma_start3A_14 = arith.constant 0 : i32
    %dma_start3A_15 = tpu.memref_slice %arg5[%dma_start3A, %dma_start3A_14] : memref<4x32xi32, #tpu.memory_space<vmem>> -> memref<1x32xi32, #tpu.memory_space<vmem>>
    %dma_start3A_16 = tpu.memref_squeeze %dma_start3A_15 : memref<1x32xi32, #tpu.memory_space<vmem>> -> memref<32xi32, #tpu.memory_space<vmem>>
    %dma_start3A_17 = arith.constant 0 : i32
    %dma_start3A_18 = arith.constant 0 : i32
    %dma_start3A_19 = tpu.memref_slice %arg2[%dma_start3A_17, %dma_start3A_18] : memref<6144x1024xf32, #tpu.memory_space<hbm>> -> memref<6144x1024xf32, #tpu.memory_space<hbm>>
    tpu.enqueue_indirect_dma source(%dma_start3A_19 : memref<6144x1024xf32, #tpu.memory_space<hbm>>) target(%arg6 : memref<32x1024xf32, #tpu.memory_space<vmem>>) offsets(%dma_start3A_16 : memref<32xi32, #tpu.memory_space<vmem>>) semaphore(%arg8 : memref<!tpu.dma_semaphore, #tpu.memory_space<semaphore_mem>>)
    %dma_start3A_20 = arith.constant 1 : i32
    %dma_start3A_21 = arith.constant 0 : i32
    %dma_start3A_22 = tpu.memref_slice %arg5[%dma_start3A_20, %dma_start3A_21] : memref<4x32xi32, #tpu.memory_space<vmem>> -> memref<1x32xi32, #tpu.memory_space<vmem>>
    %dma_start3A_23 = tpu.memref_squeeze %dma_start3A_22 : memref<1x32xi32, #tpu.memory_space<vmem>> -> memref<32xi32, #tpu.memory_space<vmem>>
    %dma_start3A_24 = arith.constant 0 : i32
    %dma_start3A_25 = arith.constant 0 : i32
    %dma_start3A_26 = tpu.memref_slice %arg2[%dma_start3A_24, %dma_start3A_25] : memref<6144x1024xf32, #tpu.memory_space<hbm>> -> memref<6144x1024xf32, #tpu.memory_space<hbm>>
    tpu.enqueue_indirect_dma source(%dma_start3A_26 : memref<6144x1024xf32, #tpu.memory_space<hbm>>) target(%arg7 : memref<32x1024xf32, #tpu.memory_space<vmem>>) offsets(%dma_start3A_23 : memref<32xi32, #tpu.memory_space<vmem>>) semaphore(%arg9 : memref<!tpu.dma_semaphore, #tpu.memory_space<semaphore_mem>>)
    %dma_wait3A = arith.constant 0 : i32
    %dma_wait3A_27 = arith.constant 0 : i32
    %dma_wait3A_28 = tpu.memref_slice %arg5[%dma_wait3A, %dma_wait3A_27] : memref<4x32xi32, #tpu.memory_space<vmem>> -> memref<1x32xi32, #tpu.memory_space<vmem>>
    %dma_wait3A_29 = tpu.memref_squeeze %dma_wait3A_28 : memref<1x32xi32, #tpu.memory_space<vmem>> -> memref<32xi32, #tpu.memory_space<vmem>>
    %dma_wait3A_30 = arith.constant 0 : i32
    %dma_wait3A_31 = arith.constant 0 : i32
    %dma_wait3A_32 = tpu.memref_slice %arg2[%dma_wait3A_30, %dma_wait3A_31] : memref<6144x1024xf32, #tpu.memory_space<hbm>> -> memref<6144x1024xf32, #tpu.memory_space<hbm>>
    tpu.wait_indirect_dma semaphore(%arg8 : memref<!tpu.dma_semaphore, #tpu.memory_space<semaphore_mem>>) src(%dma_wait3A_32 : memref<6144x1024xf32, #tpu.memory_space<hbm>>) dst(%arg6 : memref<32x1024xf32, #tpu.memory_space<vmem>>)
    %add3A_33 = arith.constant 0 : i32
    %add3A_34 = arith.addi %mul3A_2, %add3A_33 : i32
    %dma_start3A_35 = arith.constant 0 : i32
    %dma_start3A_36 = tpu.memref_slice %arg4[%add3A_34, %dma_start3A_35] : memref<4096x1024xf32, #tpu.memory_space<hbm>> -> memref<32x1024xf32, #tpu.memory_space<hbm>>
    %dma_start3A_37 = arith.constant 0 : i32
    %dma_start3A_38 = tpu.memref_slice %arg4[%add3A_34, %dma_start3A_37] : memref<4096x1024xf32, #tpu.memory_space<hbm>> -> memref<32x1024xf32, #tpu.memory_space<hbm>>
    tpu.enqueue_dma source(%arg6 : memref<32x1024xf32, #tpu.memory_space<vmem>>) target(%dma_start3A_38 : memref<32x1024xf32, #tpu.memory_space<hbm>>) target_semaphore(%arg10 : memref<!tpu.dma_semaphore, #tpu.memory_space<semaphore_mem>>)
    %dma_wait3A_39 = arith.constant 0 : i32
    %dma_wait3A_40 = tpu.memref_slice %arg4[%add3A_34, %dma_wait3A_39] : memref<4096x1024xf32, #tpu.memory_space<hbm>> -> memref<32x1024xf32, #tpu.memory_space<hbm>>
    %dma_wait3A_41 = arith.constant 0 : i32
    %dma_wait3A_42 = tpu.memref_slice %arg4[%add3A_34, %dma_wait3A_41] : memref<4096x1024xf32, #tpu.memory_space<hbm>> -> memref<32x1024xf32, #tpu.memory_space<hbm>>
    tpu.wait_dma2 semaphore(%arg10 : memref<!tpu.dma_semaphore, #tpu.memory_space<semaphore_mem>>) src(%arg6 : memref<32x1024xf32, #tpu.memory_space<vmem>>) dst(%dma_wait3A_42 : memref<32x1024xf32, #tpu.memory_space<hbm>>)
    %dma_start3A_43 = arith.constant 2 : i32
    %dma_start3A_44 = arith.constant 0 : i32
    %dma_start3A_45 = tpu.memref_slice %arg5[%dma_start3A_43, %dma_start3A_44] : memref<4x32xi32, #tpu.memory_space<vmem>> -> memref<1x32xi32, #tpu.memory_space<vmem>>
    %dma_start3A_46 = tpu.memref_squeeze %dma_start3A_45 : memref<1x32xi32, #tpu.memory_space<vmem>> -> memref<32xi32, #tpu.memory_space<vmem>>
    %dma_start3A_47 = arith.constant 0 : i32
    %dma_start3A_48 = arith.constant 0 : i32
    %dma_start3A_49 = tpu.memref_slice %arg2[%dma_start3A_47, %dma_start3A_48] : memref<6144x1024xf32, #tpu.memory_space<hbm>> -> memref<6144x1024xf32, #tpu.memory_space<hbm>>
    tpu.enqueue_indirect_dma source(%dma_start3A_49 : memref<6144x1024xf32, #tpu.memory_space<hbm>>) target(%arg6 : memref<32x1024xf32, #tpu.memory_space<vmem>>) offsets(%dma_start3A_46 : memref<32xi32, #tpu.memory_space<vmem>>) semaphore(%arg8 : memref<!tpu.dma_semaphore, #tpu.memory_space<semaphore_mem>>)
    %dma_wait3A_50 = arith.constant 1 : i32
    %dma_wait3A_51 = arith.constant 0 : i32
    %dma_wait3A_52 = tpu.memref_slice %arg5[%dma_wait3A_50, %dma_wait3A_51] : memref<4x32xi32, #tpu.memory_space<vmem>> -> memref<1x32xi32, #tpu.memory_space<vmem>>
    %dma_wait3A_53 = tpu.memref_squeeze %dma_wait3A_52 : memref<1x32xi32, #tpu.memory_space<vmem>> -> memref<32xi32, #tpu.memory_space<vmem>>
    %dma_wait3A_54 = arith.constant 0 : i32
    %dma_wait3A_55 = arith.constant 0 : i32
    %dma_wait3A_56 = tpu.memref_slice %arg2[%dma_wait3A_54, %dma_wait3A_55] : memref<6144x1024xf32, #tpu.memory_space<hbm>> -> memref<6144x1024xf32, #tpu.memory_space<hbm>>
    tpu.wait_indirect_dma semaphore(%arg9 : memref<!tpu.dma_semaphore, #tpu.memory_space<semaphore_mem>>) src(%dma_wait3A_56 : memref<6144x1024xf32, #tpu.memory_space<hbm>>) dst(%arg7 : memref<32x1024xf32, #tpu.memory_space<vmem>>)
    %add3A_57 = arith.constant 32 : i32
    %add3A_58 = arith.addi %mul3A_2, %add3A_57 : i32
    %dma_start3A_59 = arith.constant 0 : i32
    %dma_start3A_60 = tpu.memref_slice %arg4[%add3A_58, %dma_start3A_59] : memref<4096x1024xf32, #tpu.memory_space<hbm>> -> memref<32x1024xf32, #tpu.memory_space<hbm>>
    %dma_start3A_61 = arith.constant 0 : i32
    %dma_start3A_62 = tpu.memref_slice %arg4[%add3A_58, %dma_start3A_61] : memref<4096x1024xf32, #tpu.memory_space<hbm>> -> memref<32x1024xf32, #tpu.memory_space<hbm>>
    tpu.enqueue_dma source(%arg7 : memref<32x1024xf32, #tpu.memory_space<vmem>>) target(%dma_start3A_62 : memref<32x1024xf32, #tpu.memory_space<hbm>>) target_semaphore(%arg11 : memref<!tpu.dma_semaphore, #tpu.memory_space<semaphore_mem>>)
    %dma_wait3A_63 = arith.constant 0 : i32
    %dma_wait3A_64 = tpu.memref_slice %arg4[%add3A_58, %dma_wait3A_63] : memref<4096x1024xf32, #tpu.memory_space<hbm>> -> memref<32x1024xf32, #tpu.memory_space<hbm>>
    %dma_wait3A_65 = arith.constant 0 : i32
    %dma_wait3A_66 = tpu.memref_slice %arg4[%add3A_58, %dma_wait3A_65] : memref<4096x1024xf32, #tpu.memory_space<hbm>> -> memref<32x1024xf32, #tpu.memory_space<hbm>>
    tpu.wait_dma2 semaphore(%arg11 : memref<!tpu.dma_semaphore, #tpu.memory_space<semaphore_mem>>) src(%arg7 : memref<32x1024xf32, #tpu.memory_space<vmem>>) dst(%dma_wait3A_66 : memref<32x1024xf32, #tpu.memory_space<hbm>>)
    %dma_start3A_67 = arith.constant 3 : i32
    %dma_start3A_68 = arith.constant 0 : i32
    %dma_start3A_69 = tpu.memref_slice %arg5[%dma_start3A_67, %dma_start3A_68] : memref<4x32xi32, #tpu.memory_space<vmem>> -> memref<1x32xi32, #tpu.memory_space<vmem>>
    %dma_start3A_70 = tpu.memref_squeeze %dma_start3A_69 : memref<1x32xi32, #tpu.memory_space<vmem>> -> memref<32xi32, #tpu.memory_space<vmem>>
    %dma_start3A_71 = arith.constant 0 : i32
    %dma_start3A_72 = arith.constant 0 : i32
    %dma_start3A_73 = tpu.memref_slice %arg2[%dma_start3A_71, %dma_start3A_72] : memref<6144x1024xf32, #tpu.memory_space<hbm>> -> memref<6144x1024xf32, #tpu.memory_space<hbm>>
    tpu.enqueue_indirect_dma source(%dma_start3A_73 : memref<6144x1024xf32, #tpu.memory_space<hbm>>) target(%arg7 : memref<32x1024xf32, #tpu.memory_space<vmem>>) offsets(%dma_start3A_70 : memref<32xi32, #tpu.memory_space<vmem>>) semaphore(%arg9 : memref<!tpu.dma_semaphore, #tpu.memory_space<semaphore_mem>>)
    %dma_wait3A_74 = arith.constant 2 : i32
    %dma_wait3A_75 = arith.constant 0 : i32
    %dma_wait3A_76 = tpu.memref_slice %arg5[%dma_wait3A_74, %dma_wait3A_75] : memref<4x32xi32, #tpu.memory_space<vmem>> -> memref<1x32xi32, #tpu.memory_space<vmem>>
    %dma_wait3A_77 = tpu.memref_squeeze %dma_wait3A_76 : memref<1x32xi32, #tpu.memory_space<vmem>> -> memref<32xi32, #tpu.memory_space<vmem>>
    %dma_wait3A_78 = arith.constant 0 : i32
    %dma_wait3A_79 = arith.constant 0 : i32
    %dma_wait3A_80 = tpu.memref_slice %arg2[%dma_wait3A_78, %dma_wait3A_79] : memref<6144x1024xf32, #tpu.memory_space<hbm>> -> memref<6144x1024xf32, #tpu.memory_space<hbm>>
    tpu.wait_indirect_dma semaphore(%arg8 : memref<!tpu.dma_semaphore, #tpu.memory_space<semaphore_mem>>) src(%dma_wait3A_80 : memref<6144x1024xf32, #tpu.memory_space<hbm>>) dst(%arg6 : memref<32x1024xf32, #tpu.memory_space<vmem>>)
    %add3A_81 = arith.constant 64 : i32
    %add3A_82 = arith.addi %mul3A_2, %add3A_81 : i32
    %dma_start3A_83 = arith.constant 0 : i32
    %dma_start3A_84 = tpu.memref_slice %arg4[%add3A_82, %dma_start3A_83] : memref<4096x1024xf32, #tpu.memory_space<hbm>> -> memref<32x1024xf32, #tpu.memory_space<hbm>>
    %dma_start3A_85 = arith.constant 0 : i32
    %dma_start3A_86 = tpu.memref_slice %arg4[%add3A_82, %dma_start3A_85] : memref<4096x1024xf32, #tpu.memory_space<hbm>> -> memref<32x1024xf32, #tpu.memory_space<hbm>>
    tpu.enqueue_dma source(%arg6 : memref<32x1024xf32, #tpu.memory_space<vmem>>) target(%dma_start3A_86 : memref<32x1024xf32, #tpu.memory_space<hbm>>) target_semaphore(%arg10 : memref<!tpu.dma_semaphore, #tpu.memory_space<semaphore_mem>>)
    %dma_wait3A_87 = arith.constant 3 : i32
    %dma_wait3A_88 = arith.constant 0 : i32
    %dma_wait3A_89 = tpu.memref_slice %arg5[%dma_wait3A_87, %dma_wait3A_88] : memref<4x32xi32, #tpu.memory_space<vmem>> -> memref<1x32xi32, #tpu.memory_space<vmem>>
    %dma_wait3A_90 = tpu.memref_squeeze %dma_wait3A_89 : memref<1x32xi32, #tpu.memory_space<vmem>> -> memref<32xi32, #tpu.memory_space<vmem>>
    %dma_wait3A_91 = arith.constant 0 : i32
    %dma_wait3A_92 = arith.constant 0 : i32
    %dma_wait3A_93 = tpu.memref_slice %arg2[%dma_wait3A_91, %dma_wait3A_92] : memref<6144x1024xf32, #tpu.memory_space<hbm>> -> memref<6144x1024xf32, #tpu.memory_space<hbm>>
    tpu.wait_indirect_dma semaphore(%arg9 : memref<!tpu.dma_semaphore, #tpu.memory_space<semaphore_mem>>) src(%dma_wait3A_93 : memref<6144x1024xf32, #tpu.memory_space<hbm>>) dst(%arg7 : memref<32x1024xf32, #tpu.memory_space<vmem>>)
    %add3A_94 = arith.constant 96 : i32
    %add3A_95 = arith.addi %mul3A_2, %add3A_94 : i32
    %dma_start3A_96 = arith.constant 0 : i32
    %dma_start3A_97 = tpu.memref_slice %arg4[%add3A_95, %dma_start3A_96] : memref<4096x1024xf32, #tpu.memory_space<hbm>> -> memref<32x1024xf32, #tpu.memory_space<hbm>>
    %dma_start3A_98 = arith.constant 0 : i32
    %dma_start3A_99 = tpu.memref_slice %arg4[%add3A_95, %dma_start3A_98] : memref<4096x1024xf32, #tpu.memory_space<hbm>> -> memref<32x1024xf32, #tpu.memory_space<hbm>>
    tpu.enqueue_dma source(%arg7 : memref<32x1024xf32, #tpu.memory_space<vmem>>) target(%dma_start3A_99 : memref<32x1024xf32, #tpu.memory_space<hbm>>) target_semaphore(%arg11 : memref<!tpu.dma_semaphore, #tpu.memory_space<semaphore_mem>>)
    %dma_wait3A_100 = arith.constant 0 : i32
    %dma_wait3A_101 = tpu.memref_slice %arg4[%add3A_82, %dma_wait3A_100] : memref<4096x1024xf32, #tpu.memory_space<hbm>> -> memref<32x1024xf32, #tpu.memory_space<hbm>>
    %dma_wait3A_102 = arith.constant 0 : i32
    %dma_wait3A_103 = tpu.memref_slice %arg4[%add3A_82, %dma_wait3A_102] : memref<4096x1024xf32, #tpu.memory_space<hbm>> -> memref<32x1024xf32, #tpu.memory_space<hbm>>
    tpu.wait_dma2 semaphore(%arg10 : memref<!tpu.dma_semaphore, #tpu.memory_space<semaphore_mem>>) src(%arg6 : memref<32x1024xf32, #tpu.memory_space<vmem>>) dst(%dma_wait3A_103 : memref<32x1024xf32, #tpu.memory_space<hbm>>)
    %dma_wait3A_104 = arith.constant 0 : i32
    %dma_wait3A_105 = tpu.memref_slice %arg4[%add3A_95, %dma_wait3A_104] : memref<4096x1024xf32, #tpu.memory_space<hbm>> -> memref<32x1024xf32, #tpu.memory_space<hbm>>
    %dma_wait3A_106 = arith.constant 0 : i32
    %dma_wait3A_107 = tpu.memref_slice %arg4[%add3A_95, %dma_wait3A_106] : memref<4096x1024xf32, #tpu.memory_space<hbm>> -> memref<32x1024xf32, #tpu.memory_space<hbm>>
    tpu.wait_dma2 semaphore(%arg11 : memref<!tpu.dma_semaphore, #tpu.memory_space<semaphore_mem>>) src(%arg7 : memref<32x1024xf32, #tpu.memory_space<vmem>>) dst(%dma_wait3A_107 : memref<32x1024xf32, #tpu.memory_space<hbm>>)
    return
  }
}

module attributes {stable_mosaic.version = 14 : i64} {
  func.func @_router_body(%arg0: i32, %arg1: memref<512x1024xf32, #tpu.memory_space<vmem>>, %arg2: memref<1024x24xf32, #tpu.memory_space<vmem>>, %arg3: memref<1x24xf32, #tpu.memory_space<vmem>>, %arg4: memref<512x8xf32, #tpu.memory_space<vmem>>, %arg5: memref<512x8xf32, #tpu.memory_space<vmem>>, %arg6: memref<512x8xf32, #tpu.memory_space<vmem>>, %arg7: memref<512x1xi32, #tpu.memory_space<vmem>>, %arg8: memref<512x8xf32, #tpu.memory_space<vmem>>, %arg9: memref<512x1xf32, #tpu.memory_space<vmem>>, %arg10: memref<512x1xf32, #tpu.memory_space<vmem>>, %arg11: memref<512x1xf32, #tpu.memory_space<vmem>>, %arg12: memref<512x128xf32, #tpu.memory_space<vmem>>, %arg13: memref<4096x1xi32, #tpu.memory_space<vmem>>, %arg14: memref<24x1xi32, #tpu.memory_space<vmem>>, %arg15: memref<1x8xf32, #tpu.memory_space<vmem>>, %arg16: memref<4096x1xi32, #tpu.memory_space<vmem>>, %arg17: memref<4096x1xi32, #tpu.memory_space<vmem>>) attributes {dimension_semantics = [#tpu.dimension_semantics<arbitrary>], iteration_bounds = array<i64: 9>, scalar_prefetch = 0 : i64, scratch_operands = 3 : i64, tpu.core_type = #tpu.core_type<tc>, window_params = [{transform_indices = @transform_0, window_bounds = array<i64: 512, 1024>}, {pipeline_mode = #tpu.pipeline_mode<synchronous>, transform_indices = @transform_1, window_bounds = array<i64: 1024, 24>}, {pipeline_mode = #tpu.pipeline_mode<synchronous>, transform_indices = @transform_2, window_bounds = array<i64: 1, 24>}, {transform_indices = @transform_3, window_bounds = array<i64: 512, 8>}, {transform_indices = @transform_4, window_bounds = array<i64: 512, 8>}, {transform_indices = @transform_5, window_bounds = array<i64: 512, 8>}, {transform_indices = @transform_6, window_bounds = array<i64: 512, 1>}, {transform_indices = @transform_7, window_bounds = array<i64: 512, 8>}, {transform_indices = @transform_8, window_bounds = array<i64: 512, 1>}, {transform_indices = @transform_9, window_bounds = array<i64: 512, 1>}, {transform_indices = @transform_10, window_bounds = array<i64: 512, 1>}, {transform_indices = @transform_11, window_bounds = array<i64: 512, 128>}, {pipeline_mode = #tpu.pipeline_mode<synchronous>, transform_indices = @transform_12, window_bounds = array<i64: 4096, 1>}, {pipeline_mode = #tpu.pipeline_mode<synchronous>, transform_indices = @transform_13, window_bounds = array<i64: 24, 1>}]} {
    %eq3A = arith.constant 8 : i32
    %eq3A_0 = arith.cmpi eq, %arg0, %eq3A : i32
    %convert_element_type3A = arith.extui %eq3A_0 : i1 to i32
    %cond3A = arith.constant 0 : i32
    %cond3A_1 = arith.cmpi ne, %convert_element_type3A, %cond3A : i32
    scf.if %cond3A_1 {
      %get3A = arith.constant 0 : index
      %get3A_6 = arith.constant 0 : index
      %get3A_7 = vector.load %arg15[%get3A, %get3A_6] : memref<1x8xf32, #tpu.memory_space<vmem>>, vector<1x8xf32>
      %convert_element_type3A_8 = arith.fptosi %get3A_7 : vector<1x8xf32> to vector<1x8xi32>
      %add3A = arith.constant 255 : i32
      %add3A_9 = vector.broadcast %add3A : i32 to vector<1x8xi32>
      %add3A_10 = arith.addi %convert_element_type3A_8, %add3A_9 : vector<1x8xi32>
      %shift_right_logical3A = arith.constant 8 : i32
      %shift_right_logical3A_11 = vector.broadcast %shift_right_logical3A : i32 to vector<1x8xi32>
      %shift_right_logical3A_12 = arith.shrui %add3A_10, %shift_right_logical3A_11 : vector<1x8xi32>
      %shift_left3A = arith.constant 8 : i32
      %shift_left3A_13 = vector.broadcast %shift_left3A : i32 to vector<1x8xi32>
      %shift_left3A_14 = arith.shli %shift_right_logical3A_12, %shift_left3A_13 : vector<1x8xi32>
      %convert_element_type3A_15 = arith.sitofp %shift_left3A_14 : vector<1x8xi32> to vector<1x8xf32>
      %iota3A = tpu.iota {dimensions = array<i32: 0>} : vector<8x8xi32>
      %iota3A_16 = tpu.iota {dimensions = array<i32: 1>} : vector<8x8xi32>
      %lt3A_17 = arith.cmpi slt, %iota3A, %iota3A_16 : vector<8x8xi32>
      %convert_element_type3A_18 = arith.extui %lt3A_17 : vector<8x8xi1> to vector<8x8xi32>
      %convert_element_type3A_19 = arith.sitofp %convert_element_type3A_18 : vector<8x8xi32> to vector<8x8xf32>
      %dot_general3A = arith.constant dense<0.000000e+00> : vector<1x8xf32>
      %dot_general3A_20 = tpu.matmul %convert_element_type3A_15, %convert_element_type3A_19, %dot_general3A {dimension_numbers = #tpu.dot_dimension_numbers<[1], [0], [0], [1], [0, 0, 1, 1], [], []>, transpose_lhs_hint = false} : vector<1x8xf32>, vector<8x8xf32>, vector<1x8xf32> -> vector<1x8xf32>
      %iota3A_21 = tpu.iota {dimensions = array<i32: 1>} : vector<4096x8xi32>
      %get3A_22 = arith.constant 0 : index
      %get3A_23 = arith.constant 0 : index
      %get3A_24 = vector.load %arg16[%get3A_22, %get3A_23] : memref<4096x1xi32, #tpu.memory_space<vmem>>, vector<4096x1xi32>
      %eq3A_25 = vector.broadcast %get3A_24 : vector<4096x1xi32> to vector<4096x8xi32>
      %eq3A_26 = arith.cmpi eq, %iota3A_21, %eq3A_25 : vector<4096x8xi32>
      %convert_element_type3A_27 = arith.extui %eq3A_26 : vector<4096x8xi1> to vector<4096x8xi32>
      %convert_element_type3A_28 = arith.sitofp %convert_element_type3A_27 : vector<4096x8xi32> to vector<4096x8xf32>
      %mul3A = vector.broadcast %dot_general3A_20 : vector<1x8xf32> to vector<4096x8xf32>
      %mul3A_29 = arith.mulf %convert_element_type3A_28, %mul3A : vector<4096x8xf32>
      %reduce_sum3A = arith.constant dense<0.000000e+00> : vector<4096xf32>
      %reduce_sum3A_30 = vector.multi_reduction <add>, %mul3A_29, %reduce_sum3A [1] : vector<4096x8xf32> to vector<4096xf32>
      %broadcast_in_dim3A = vector.shape_cast %reduce_sum3A_30 : vector<4096xf32> to vector<4096x1xf32>
      %convert_element_type3A_31 = arith.fptosi %broadcast_in_dim3A : vector<4096x1xf32> to vector<4096x1xi32>
      %get3A_32 = arith.constant 0 : index
      %get3A_33 = arith.constant 0 : index
      %get3A_34 = vector.load %arg17[%get3A_32, %get3A_33] : memref<4096x1xi32, #tpu.memory_space<vmem>>, vector<4096x1xi32>
      %add3A_35 = arith.addi %convert_element_type3A_31, %get3A_34 : vector<4096x1xi32>
      %swap3A = arith.constant 0 : index
      %swap3A_36 = arith.constant 0 : index
      %swap3A_37 = vector.load %arg13[%swap3A, %swap3A_36] : memref<4096x1xi32, #tpu.memory_space<vmem>>, vector<4096x1xi32>
      tpu.vector_store %arg13[%swap3A, %swap3A_36], %add3A_35 {strides = array<i32>} : memref<4096x1xi32, #tpu.memory_space<vmem>>, vector<4096x1xi32>,
      %convert_element_type3A_38 = arith.fptosi %dot_general3A_20 : vector<1x8xf32> to vector<1x8xi32>
      %iota3A_39 = tpu.iota {dimensions = array<i32: 0>} : vector<24x8xi32>
      %mul3A_40 = arith.constant 256 : i32
      %mul3A_41 = vector.broadcast %mul3A_40 : i32 to vector<24x8xi32>
      %mul3A_42 = arith.muli %iota3A_39, %mul3A_41 : vector<24x8xi32>
      %ge3A = vector.broadcast %convert_element_type3A_38 : vector<1x8xi32> to vector<24x8xi32>
      %ge3A_43 = arith.cmpi sge, %mul3A_42, %ge3A : vector<24x8xi32>
      %convert_element_type3A_44 = arith.extui %ge3A_43 : vector<24x8xi1> to vector<24x8xi32>
      %reduce_sum3A_45 = arith.constant dense<0> : vector<24xi32>
      %reduce_sum3A_46 = vector.multi_reduction <add>, %convert_element_type3A_44, %reduce_sum3A_45 [1] : vector<24x8xi32> to vector<24xi32>
      %broadcast_in_dim3A_47 = vector.shape_cast %reduce_sum3A_46 : vector<24xi32> to vector<24x1xi32>
      %sub3A = arith.constant 1 : i32
      %sub3A_48 = vector.broadcast %sub3A : i32 to vector<24x1xi32>
      %sub3A_49 = arith.subi %broadcast_in_dim3A_47, %sub3A_48 : vector<24x1xi32>
      %swap3A_50 = arith.constant 0 : index
      %swap3A_51 = arith.constant 0 : index
      %swap3A_52 = vector.load %arg14[%swap3A_50, %swap3A_51] : memref<24x1xi32, #tpu.memory_space<vmem>>, vector<24x1xi32>
      tpu.vector_store %arg14[%swap3A_50, %swap3A_51], %sub3A_49 {strides = array<i32>} : memref<24x1xi32, #tpu.memory_space<vmem>>, vector<24x1xi32>,
    } else {
    }
    %lt3A = arith.constant 8 : i32
    %lt3A_2 = arith.cmpi slt, %arg0, %lt3A : i32
    %convert_element_type3A_3 = arith.extui %lt3A_2 : i1 to i32
    %cond3A_4 = arith.constant 0 : i32
    %cond3A_5 = arith.cmpi ne, %convert_element_type3A_3, %cond3A_4 : i32
    scf.if %cond3A_5 {
      %get3A = arith.constant 0 : index
      %get3A_6 = arith.constant 0 : index
      %get3A_7 = vector.load %arg1[%get3A, %get3A_6] : memref<512x1024xf32, #tpu.memory_space<vmem>>, vector<512x1024xf32>
      %max3A = arith.constant 0.000000e+00 : f32
      %max3A_8 = vector.broadcast %max3A : f32 to vector<512x1024xf32>
      %max3A_9 = arith.maximumf %get3A_7, %max3A_8 : vector<512x1024xf32>
      %get3A_10 = arith.constant 0 : index
      %get3A_11 = arith.constant 0 : index
      %get3A_12 = vector.load %arg2[%get3A_10, %get3A_11] : memref<1024x24xf32, #tpu.memory_space<vmem>>, vector<1024x24xf32>
      %dot_general3A = arith.constant dense<0.000000e+00> : vector<512x24xf32>
      %dot_general3A_13 = tpu.matmul %max3A_9, %get3A_12, %dot_general3A {dimension_numbers = #tpu.dot_dimension_numbers<[1], [0], [0], [1], [0, 0, 1, 1], [], []>, transpose_lhs_hint = false} : vector<512x1024xf32>, vector<1024x24xf32>, vector<512x24xf32> -> vector<512x24xf32>
      %get3A_14 = arith.constant 0 : index
      %get3A_15 = arith.constant 0 : index
      %get3A_16 = vector.load %arg3[%get3A_14, %get3A_15] : memref<1x24xf32, #tpu.memory_space<vmem>>, vector<1x24xf32>
      %add3A = vector.broadcast %get3A_16 : vector<1x24xf32> to vector<512x24xf32>
      %add3A_17 = arith.addf %dot_general3A_13, %add3A : vector<512x24xf32>
      %slice3A = vector.extract_strided_slice %add3A_17 {offsets = [0, 0], sizes = [512, 8], strides = [1, 1]} : vector<512x24xf32> to vector<512x8xf32>
      %slice3A_18 = vector.extract_strided_slice %add3A_17 {offsets = [0, 8], sizes = [512, 8], strides = [1, 1]} : vector<512x24xf32> to vector<512x8xf32>
      %slice3A_19 = vector.extract_strided_slice %add3A_17 {offsets = [0, 16], sizes = [512, 8], strides = [1, 1]} : vector<512x24xf32> to vector<512x8xf32>
      %get3A_20 = arith.constant 0 : index
      %get3A_21 = arith.constant 0 : index
      %get3A_22 = vector.load %arg4[%get3A_20, %get3A_21] : memref<512x8xf32, #tpu.memory_space<vmem>>, vector<512x8xf32>
      %log3A = math.log %get3A_22 : vector<512x8xf32>
      %neg3A = arith.constant 0.000000e+00 : f32
      %neg3A_23 = vector.broadcast %neg3A : f32 to vector<512x8xf32>
      %neg3A_24 = arith.subf %neg3A_23, %log3A : vector<512x8xf32>
      %add3A_25 = arith.constant 9.99999968E-21 : f32
      %add3A_26 = vector.broadcast %add3A_25 : f32 to vector<512x8xf32>
      %add3A_27 = arith.addf %neg3A_24, %add3A_26 : vector<512x8xf32>
      %log3A_28 = math.log %add3A_27 : vector<512x8xf32>
      %neg3A_29 = arith.constant 0.000000e+00 : f32
      %neg3A_30 = vector.broadcast %neg3A_29 : f32 to vector<512x8xf32>
      %neg3A_31 = arith.subf %neg3A_30, %log3A_28 : vector<512x8xf32>
      %add3A_32 = arith.addf %slice3A, %neg3A_31 : vector<512x8xf32>
      %div3A = arith.constant 1.000000e+00 : f32
      %div3A_33 = vector.broadcast %div3A : f32 to vector<512x8xf32>
      %div3A_34 = arith.divf %add3A_32, %div3A_33 : vector<512x8xf32>
      %reduce_max3A = arith.constant dense<0xFF800000> : vector<512xf32>
      %reduce_max3A_35 = vector.multi_reduction <maximumf>, %div3A_34, %reduce_max3A [1] : vector<512x8xf32> to vector<512xf32>
      %broadcast_in_dim3A = vector.shape_cast %reduce_max3A_35 : vector<512xf32> to vector<512x1xf32>
      %sub3A = vector.broadcast %broadcast_in_dim3A : vector<512x1xf32> to vector<512x8xf32>
      %sub3A_36 = arith.subf %div3A_34, %sub3A : vector<512x8xf32>
      %exp3A = math.exp %sub3A_36 : vector<512x8xf32>
      %reduce_sum3A = arith.constant dense<0.000000e+00> : vector<512xf32>
      %reduce_sum3A_37 = vector.multi_reduction <add>, %exp3A, %reduce_sum3A [1] : vector<512x8xf32> to vector<512xf32>
      %broadcast_in_dim3A_38 = vector.shape_cast %reduce_sum3A_37 : vector<512xf32> to vector<512x1xf32>
      %div3A_39 = vector.broadcast %broadcast_in_dim3A_38 : vector<512x1xf32> to vector<512x8xf32>
      %div3A_40 = arith.divf %exp3A, %div3A_39 : vector<512x8xf32>
      %iota3A = tpu.iota {dimensions = array<i32: 1>} : vector<512x8xi32>
      %reduce_max3A_41 = arith.constant dense<0xFF800000> : vector<512xf32>
      %reduce_max3A_42 = vector.multi_reduction <maximumf>, %div3A_40, %reduce_max3A_41 [1] : vector<512x8xf32> to vector<512xf32>
      %broadcast_in_dim3A_43 = vector.shape_cast %reduce_max3A_42 : vector<512xf32> to vector<512x1xf32>
      %eq3A_44 = vector.broadcast %broadcast_in_dim3A_43 : vector<512x1xf32> to vector<512x8xf32>
      %eq3A_45 = arith.cmpf oeq, %div3A_40, %eq3A_44 : vector<512x8xf32>
      %jit3A = arith.constant 8 : i32
      %broadcast_in_dim3A_46 = vector.broadcast %jit3A : i32 to vector<512x8xi32>
      %select_n3A = arith.select %eq3A_45, %iota3A, %broadcast_in_dim3A_46 : vector<512x8xi1>, vector<512x8xi32>
      %reduce_min3A = arith.constant dense<2147483647> : vector<512xi32>
      %reduce_min3A_47 = vector.multi_reduction <minsi>, %select_n3A, %reduce_min3A [1] : vector<512x8xi32> to vector<512xi32>
      %broadcast_in_dim3A_48 = vector.shape_cast %reduce_min3A_47 : vector<512xi32> to vector<512x1xi32>
      %eq3A_49 = vector.broadcast %broadcast_in_dim3A_48 : vector<512x1xi32> to vector<512x8xi32>
      %eq3A_50 = arith.cmpi eq, %iota3A, %eq3A_49 : vector<512x8xi32>
      %convert_element_type3A_51 = arith.extui %eq3A_50 : vector<512x8xi1> to vector<512x8xi32>
      %convert_element_type3A_52 = arith.sitofp %convert_element_type3A_51 : vector<512x8xi32> to vector<512x8xf32>
      %sub3A_53 = arith.subf %convert_element_type3A_52, %div3A_40 : vector<512x8xf32>
      %add3A_54 = arith.addf %sub3A_53, %div3A_40 : vector<512x8xf32>
      %get3A_55 = arith.constant 0 : index
      %get3A_56 = arith.constant 0 : index
      %get3A_57 = vector.load %arg5[%get3A_55, %get3A_56] : memref<512x8xf32, #tpu.memory_space<vmem>>, vector<512x8xf32>
      %div3A_58 = arith.constant 2.000000e+00 : f32
      %div3A_59 = vector.broadcast %div3A_58 : f32 to vector<512x8xf32>
      %div3A_60 = arith.divf %slice3A_19, %div3A_59 : vector<512x8xf32>
      %exp3A_61 = math.exp %div3A_60 : vector<512x8xf32>
      %mul3A = arith.mulf %get3A_57, %exp3A_61 : vector<512x8xf32>
      %add3A_62 = arith.addf %mul3A, %slice3A_18 : vector<512x8xf32>
      %mul3A_63 = arith.mulf %add3A_62, %convert_element_type3A_52 : vector<512x8xf32>
      %reduce_sum3A_64 = arith.constant dense<0.000000e+00> : vector<512xf32>
      %reduce_sum3A_65 = vector.multi_reduction <add>, %mul3A_63, %reduce_sum3A_64 [1] : vector<512x8xf32> to vector<512xf32>
      %broadcast_in_dim3A_66 = vector.shape_cast %reduce_sum3A_65 : vector<512xf32> to vector<512x1xf32>
      %swap3A = arith.constant 0 : index
      %swap3A_67 = arith.constant 0 : index
      %swap3A_68 = vector.load %arg6[%swap3A, %swap3A_67] : memref<512x8xf32, #tpu.memory_space<vmem>>, vector<512x8xf32>
      tpu.vector_store %arg6[%swap3A, %swap3A_67], %slice3A {strides = array<i32>} : memref<512x8xf32, #tpu.memory_space<vmem>>, vector<512x8xf32>,
      %swap3A_69 = arith.constant 0 : index
      %swap3A_70 = arith.constant 0 : index
      %swap3A_71 = vector.load %arg7[%swap3A_69, %swap3A_70] : memref<512x1xi32, #tpu.memory_space<vmem>>, vector<512x1xi32>
      tpu.vector_store %arg7[%swap3A_69, %swap3A_70], %broadcast_in_dim3A_48 {strides = array<i32>} : memref<512x1xi32, #tpu.memory_space<vmem>>, vector<512x1xi32>,
      %swap3A_72 = arith.constant 0 : index
      %swap3A_73 = arith.constant 0 : index
      %swap3A_74 = vector.load %arg8[%swap3A_72, %swap3A_73] : memref<512x8xf32, #tpu.memory_space<vmem>>, vector<512x8xf32>
      tpu.vector_store %arg8[%swap3A_72, %swap3A_73], %add3A_54 {strides = array<i32>} : memref<512x8xf32, #tpu.memory_space<vmem>>, vector<512x8xf32>,
      %mul3A_75 = arith.mulf %slice3A_18, %convert_element_type3A_52 : vector<512x8xf32>
      %reduce_sum3A_76 = arith.constant dense<0.000000e+00> : vector<512xf32>
      %reduce_sum3A_77 = vector.multi_reduction <add>, %mul3A_75, %reduce_sum3A_76 [1] : vector<512x8xf32> to vector<512xf32>
      %broadcast_in_dim3A_78 = vector.shape_cast %reduce_sum3A_77 : vector<512xf32> to vector<512x1xf32>
      %swap3A_79 = arith.constant 0 : index
      %swap3A_80 = arith.constant 0 : index
      %swap3A_81 = vector.load %arg9[%swap3A_79, %swap3A_80] : memref<512x1xf32, #tpu.memory_space<vmem>>, vector<512x1xf32>
      tpu.vector_store %arg9[%swap3A_79, %swap3A_80], %broadcast_in_dim3A_78 {strides = array<i32>} : memref<512x1xf32, #tpu.memory_space<vmem>>, vector<512x1xf32>,
      %mul3A_82 = arith.mulf %slice3A_19, %convert_element_type3A_52 : vector<512x8xf32>
      %reduce_sum3A_83 = arith.constant dense<0.000000e+00> : vector<512xf32>
      %reduce_sum3A_84 = vector.multi_reduction <add>, %mul3A_82, %reduce_sum3A_83 [1] : vector<512x8xf32> to vector<512xf32>
      %broadcast_in_dim3A_85 = vector.shape_cast %reduce_sum3A_84 : vector<512xf32> to vector<512x1xf32>
      %swap3A_86 = arith.constant 0 : index
      %swap3A_87 = arith.constant 0 : index
      %swap3A_88 = vector.load %arg10[%swap3A_86, %swap3A_87] : memref<512x1xf32, #tpu.memory_space<vmem>>, vector<512x1xf32>
      tpu.vector_store %arg10[%swap3A_86, %swap3A_87], %broadcast_in_dim3A_85 {strides = array<i32>} : memref<512x1xf32, #tpu.memory_space<vmem>>, vector<512x1xf32>,
      %swap3A_89 = arith.constant 0 : index
      %swap3A_90 = arith.constant 0 : index
      %swap3A_91 = vector.load %arg11[%swap3A_89, %swap3A_90] : memref<512x1xf32, #tpu.memory_space<vmem>>, vector<512x1xf32>
      tpu.vector_store %arg11[%swap3A_89, %swap3A_90], %broadcast_in_dim3A_66 {strides = array<i32>} : memref<512x1xf32, #tpu.memory_space<vmem>>, vector<512x1xf32>,
      %broadcast_in_dim3A_92 = arith.constant 1.000000e+00 : f32
      %broadcast_in_dim3A_93 = vector.broadcast %broadcast_in_dim3A_92 : f32 to vector<512x128xf32>
      %mul3A_94 = vector.broadcast %broadcast_in_dim3A_66 : vector<512x1xf32> to vector<512x128xf32>
      %mul3A_95 = arith.mulf %mul3A_94, %broadcast_in_dim3A_93 : vector<512x128xf32>
      %swap3A_96 = arith.constant 0 : index
      %swap3A_97 = arith.constant 0 : index
      %swap3A_98 = vector.load %arg12[%swap3A_96, %swap3A_97] : memref<512x128xf32, #tpu.memory_space<vmem>>, vector<512x128xf32>
      tpu.vector_store %arg12[%swap3A_96, %swap3A_97], %mul3A_95 {strides = array<i32>} : memref<512x128xf32, #tpu.memory_space<vmem>>, vector<512x128xf32>,
      %eq3A_99 = arith.constant 0 : i32
      %eq3A_100 = arith.cmpi eq, %arg0, %eq3A_99 : i32
      %convert_element_type3A_101 = arith.extui %eq3A_100 : i1 to i32
      %cond3A_102 = arith.constant 0 : i32
      %cond3A_103 = arith.cmpi ne, %convert_element_type3A_101, %cond3A_102 : i32
      scf.if %cond3A_103 {
        %broadcast_in_dim3A_140 = arith.constant 0.000000e+00 : f32
        %broadcast_in_dim3A_141 = vector.broadcast %broadcast_in_dim3A_140 : f32 to vector<1x8xf32>
        %swap3A_142 = arith.constant 0 : index
        %swap3A_143 = arith.constant 0 : index
        %swap3A_144 = vector.load %arg15[%swap3A_142, %swap3A_143] : memref<1x8xf32, #tpu.memory_space<vmem>>, vector<1x8xf32>
        tpu.vector_store %arg15[%swap3A_142, %swap3A_143], %broadcast_in_dim3A_141 {strides = array<i32>} : memref<1x8xf32, #tpu.memory_space<vmem>>, vector<1x8xf32>,
      } else {
      }
      %iota3A_104 = tpu.iota {dimensions = array<i32: 0>} : vector<512x512xi32>
      %iota3A_105 = tpu.iota {dimensions = array<i32: 1>} : vector<512x512xi32>
      %ge3A = arith.cmpi sge, %iota3A_104, %iota3A_105 : vector<512x512xi32>
      %convert_element_type3A_106 = arith.extui %ge3A : vector<512x512xi1> to vector<512x512xi32>
      %convert_element_type3A_107 = arith.sitofp %convert_element_type3A_106 : vector<512x512xi32> to vector<512x512xf32>
      %dot_general3A_108 = arith.constant dense<0.000000e+00> : vector<512x8xf32>
      %dot_general3A_109 = tpu.matmul %convert_element_type3A_107, %convert_element_type3A_52, %dot_general3A_108 {dimension_numbers = #tpu.dot_dimension_numbers<[1], [0], [0], [1], [0, 0, 1, 1], [], []>, transpose_lhs_hint = false} : vector<512x512xf32>, vector<512x8xf32>, vector<512x8xf32> -> vector<512x8xf32>
      %get3A_110 = arith.constant 0 : index
      %get3A_111 = arith.constant 0 : index
      %get3A_112 = vector.load %arg15[%get3A_110, %get3A_111] : memref<1x8xf32, #tpu.memory_space<vmem>>, vector<1x8xf32>
      %sub3A_113 = arith.constant 1.000000e+00 : f32
      %sub3A_114 = vector.broadcast %sub3A_113 : f32 to vector<512x8xf32>
      %sub3A_115 = arith.subf %dot_general3A_109, %sub3A_114 : vector<512x8xf32>
      %add3A_116 = vector.broadcast %get3A_112 : vector<1x8xf32> to vector<512x8xf32>
      %add3A_117 = arith.addf %sub3A_115, %add3A_116 : vector<512x8xf32>
      %mul3A_118 = arith.mulf %convert_element_type3A_52, %add3A_117 : vector<512x8xf32>
      %reduce_sum3A_119 = arith.constant dense<0.000000e+00> : vector<512xf32>
      %reduce_sum3A_120 = vector.multi_reduction <add>, %mul3A_118, %reduce_sum3A_119 [1] : vector<512x8xf32> to vector<512xf32>
      %broadcast_in_dim3A_121 = vector.shape_cast %reduce_sum3A_120 : vector<512xf32> to vector<512x1xf32>
      %convert_element_type3A_122 = arith.fptosi %broadcast_in_dim3A_121 : vector<512x1xf32> to vector<512x1xi32>
      %mul3A_123 = arith.constant 512 : i32
      %mul3A_124 = arith.muli %arg0, %mul3A_123 : i32
      %swap3A_125 = arith.index_cast %mul3A_124 : i32 to index
      %swap3A_126 = arith.constant 0 : index
      %swap3A_127 = vector.load %arg17[%swap3A_125, %swap3A_126] : memref<4096x1xi32, #tpu.memory_space<vmem>>, vector<512x1xi32>
      tpu.vector_store %arg17[%swap3A_125, %swap3A_126], %convert_element_type3A_122 {strides = array<i32>} : memref<4096x1xi32, #tpu.memory_space<vmem>>, vector<512x1xi32>,
      %mul3A_128 = arith.constant 512 : i32
      %mul3A_129 = arith.muli %arg0, %mul3A_128 : i32
      %swap3A_130 = arith.index_cast %mul3A_129 : i32 to index
      %swap3A_131 = arith.constant 0 : index
      %swap3A_132 = vector.load %arg16[%swap3A_130, %swap3A_131] : memref<4096x1xi32, #tpu.memory_space<vmem>>, vector<512x1xi32>
      tpu.vector_store %arg16[%swap3A_130, %swap3A_131], %broadcast_in_dim3A_48 {strides = array<i32>} : memref<4096x1xi32, #tpu.memory_space<vmem>>, vector<512x1xi32>,
      %reduce_sum3A_133 = arith.constant dense<0.000000e+00> : vector<8xf32>
      %reduce_sum3A_134 = vector.multi_reduction <add>, %convert_element_type3A_52, %reduce_sum3A_133 [0] : vector<512x8xf32> to vector<8xf32>
      %broadcast_in_dim3A_135 = vector.shape_cast %reduce_sum3A_134 : vector<8xf32> to vector<1x8xf32>
      %add3A_136 = arith.addf %get3A_112, %broadcast_in_dim3A_135 : vector<1x8xf32>
      %swap3A_137 = arith.constant 0 : index
      %swap3A_138 = arith.constant 0 : index
      %swap3A_139 = vector.load %arg15[%swap3A_137, %swap3A_138] : memref<1x8xf32, #tpu.memory_space<vmem>>, vector<1x8xf32>
      tpu.vector_store %arg15[%swap3A_137, %swap3A_138], %add3A_136 {strides = array<i32>} : memref<1x8xf32, #tpu.memory_space<vmem>>, vector<1x8xf32>,
    } else {
    }
    return
  }
  func.func @transform_0(%arg0: i32) -> (i32, i32) {
    %min3A = arith.constant 7 : i32
    %min3A_0 = arith.minsi %arg0, %min3A : i32
    %c0_i32 = arith.constant 0 : i32
    %c0_i32_1 = arith.constant 0 : i32
    return %min3A_0, %c0_i32 : i32, i32
  }
  func.func @transform_1(%arg0: i32) -> (i32, i32) {
    %c0_i32 = arith.constant 0 : i32
    %c0_i32_0 = arith.constant 0 : i32
    %c0_i32_1 = arith.constant 0 : i32
    return %c0_i32, %c0_i32_0 : i32, i32
  }
  func.func @transform_2(%arg0: i32) -> (i32, i32) {
    %c0_i32 = arith.constant 0 : i32
    %c0_i32_0 = arith.constant 0 : i32
    %c0_i32_1 = arith.constant 0 : i32
    return %c0_i32, %c0_i32_0 : i32, i32
  }
  func.func @transform_3(%arg0: i32) -> (i32, i32) {
    %min3A = arith.constant 7 : i32
    %min3A_0 = arith.minsi %arg0, %min3A : i32
    %c0_i32 = arith.constant 0 : i32
    %c0_i32_1 = arith.constant 0 : i32
    return %min3A_0, %c0_i32 : i32, i32
  }
  func.func @transform_4(%arg0: i32) -> (i32, i32) {
    %min3A = arith.constant 7 : i32
    %min3A_0 = arith.minsi %arg0, %min3A : i32
    %c0_i32 = arith.constant 0 : i32
    %c0_i32_1 = arith.constant 0 : i32
    return %min3A_0, %c0_i32 : i32, i32
  }
  func.func @transform_5(%arg0: i32) -> (i32, i32) {
    %min3A = arith.constant 7 : i32
    %min3A_0 = arith.minsi %arg0, %min3A : i32
    %c0_i32 = arith.constant 0 : i32
    %c0_i32_1 = arith.constant 0 : i32
    return %min3A_0, %c0_i32 : i32, i32
  }
  func.func @transform_6(%arg0: i32) -> (i32, i32) {
    %min3A = arith.constant 7 : i32
    %min3A_0 = arith.minsi %arg0, %min3A : i32
    %c0_i32 = arith.constant 0 : i32
    %c0_i32_1 = arith.constant 0 : i32
    return %min3A_0, %c0_i32 : i32, i32
  }
  func.func @transform_7(%arg0: i32) -> (i32, i32) {
    %min3A = arith.constant 7 : i32
    %min3A_0 = arith.minsi %arg0, %min3A : i32
    %c0_i32 = arith.constant 0 : i32
    %c0_i32_1 = arith.constant 0 : i32
    return %min3A_0, %c0_i32 : i32, i32
  }
  func.func @transform_8(%arg0: i32) -> (i32, i32) {
    %min3A = arith.constant 7 : i32
    %min3A_0 = arith.minsi %arg0, %min3A : i32
    %c0_i32 = arith.constant 0 : i32
    %c0_i32_1 = arith.constant 0 : i32
    return %min3A_0, %c0_i32 : i32, i32
  }
  func.func @transform_9(%arg0: i32) -> (i32, i32) {
    %min3A = arith.constant 7 : i32
    %min3A_0 = arith.minsi %arg0, %min3A : i32
    %c0_i32 = arith.constant 0 : i32
    %c0_i32_1 = arith.constant 0 : i32
    return %min3A_0, %c0_i32 : i32, i32
  }
  func.func @transform_10(%arg0: i32) -> (i32, i32) {
    %min3A = arith.constant 7 : i32
    %min3A_0 = arith.minsi %arg0, %min3A : i32
    %c0_i32 = arith.constant 0 : i32
    %c0_i32_1 = arith.constant 0 : i32
    return %min3A_0, %c0_i32 : i32, i32
  }
  func.func @transform_11(%arg0: i32) -> (i32, i32) {
    %min3A = arith.constant 7 : i32
    %min3A_0 = arith.minsi %arg0, %min3A : i32
    %c0_i32 = arith.constant 0 : i32
    %c0_i32_1 = arith.constant 0 : i32
    return %min3A_0, %c0_i32 : i32, i32
  }
  func.func @transform_12(%arg0: i32) -> (i32, i32) {
    %c0_i32 = arith.constant 0 : i32
    %c0_i32_0 = arith.constant 0 : i32
    %c0_i32_1 = arith.constant 0 : i32
    return %c0_i32, %c0_i32_0 : i32, i32
  }
  func.func @transform_13(%arg0: i32) -> (i32, i32) {
    %c0_i32 = arith.constant 0 : i32
    %c0_i32_0 = arith.constant 0 : i32
    %c0_i32_1 = arith.constant 0 : i32
    return %c0_i32, %c0_i32_0 : i32, i32
  }
}

module attributes {stable_mosaic.version = 14 : i64} {
  func.func @_ffn_body(%arg0: i32, %arg1: memref<24xi32, #tpu.memory_space<smem>>, %arg2: memref<256x1024xf32, #tpu.memory_space<vmem>>, %arg3: memref<256x128xf32, #tpu.memory_space<vmem>>, %arg4: memref<8x1024x256xbf16, #tpu.memory_space<vmem>>, %arg5: memref<8x1x256xf32, #tpu.memory_space<vmem>>, %arg6: memref<8x256x1024xbf16, #tpu.memory_space<vmem>>, %arg7: memref<8x1x1024xf32, #tpu.memory_space<vmem>>, %arg8: memref<256x1024xf32, #tpu.memory_space<vmem>>) attributes {dimension_semantics = [#tpu.dimension_semantics<arbitrary>], iteration_bounds = array<i64: 24>, scalar_prefetch = 1 : i64, scratch_operands = 0 : i64, tpu.core_type = #tpu.core_type<tc>, window_params = [{transform_indices = @transform_0, window_bounds = array<i64: 256, 1024>}, {transform_indices = @transform_1, window_bounds = array<i64: 256, 128>}, {pipeline_mode = #tpu.pipeline_mode<synchronous>, transform_indices = @transform_2, window_bounds = array<i64: 8, 1024, 256>}, {pipeline_mode = #tpu.pipeline_mode<synchronous>, transform_indices = @transform_3, window_bounds = array<i64: 8, 1, 256>}, {pipeline_mode = #tpu.pipeline_mode<synchronous>, transform_indices = @transform_4, window_bounds = array<i64: 8, 256, 1024>}, {pipeline_mode = #tpu.pipeline_mode<synchronous>, transform_indices = @transform_5, window_bounds = array<i64: 8, 1, 1024>}, {transform_indices = @transform_6, window_bounds = array<i64: 256, 1024>}]} {
    %get3A = arith.index_cast %arg0 : i32 to index
    %get3A_0 = memref.load %arg1[%get3A] : memref<24xi32, #tpu.memory_space<smem>>
    %get3A_1 = arith.constant 0 : index
    %get3A_2 = arith.constant 0 : index
    %get3A_3 = vector.load %arg2[%get3A_1, %get3A_2] : memref<256x1024xf32, #tpu.memory_space<vmem>>, vector<256x1024xf32>
    %max3A = arith.constant 0.000000e+00 : f32
    %max3A_4 = vector.broadcast %max3A : f32 to vector<256x1024xf32>
    %max3A_5 = arith.maximumf %get3A_3, %max3A_4 : vector<256x1024xf32>
    %convert_element_type3A = arith.truncf %max3A_5 : vector<256x1024xf32> to vector<256x1024xbf16>
    %get3A_6 = arith.index_cast %get3A_0 : i32 to index
    %get3A_7 = arith.constant 0 : index
    %get3A_8 = arith.constant 0 : index
    %get3A_9 = vector.load %arg4[%get3A_6, %get3A_7, %get3A_8] : memref<8x1024x256xbf16, #tpu.memory_space<vmem>>, vector<1x1024x256xbf16>
    %get3A_10 = vector.shape_cast %get3A_9 : vector<1x1024x256xbf16> to vector<1024x256xbf16>
    %dot_general3A = arith.constant dense<0.000000e+00> : vector<256x256xf32>
    %dot_general3A_11 = tpu.matmul %convert_element_type3A, %get3A_10, %dot_general3A {dimension_numbers = #tpu.dot_dimension_numbers<[1], [0], [0], [1], [0, 0, 1, 1], [], []>, transpose_lhs_hint = false} : vector<256x1024xbf16>, vector<1024x256xbf16>, vector<256x256xf32> -> vector<256x256xf32>
    %get3A_12 = arith.index_cast %get3A_0 : i32 to index
    %get3A_13 = arith.constant 0 : index
    %get3A_14 = arith.constant 0 : index
    %get3A_15 = vector.load %arg5[%get3A_12, %get3A_13, %get3A_14] : memref<8x1x256xf32, #tpu.memory_space<vmem>>, vector<1x1x256xf32>
    %get3A_16 = vector.shape_cast %get3A_15 : vector<1x1x256xf32> to vector<1x256xf32>
    %add3A = vector.broadcast %get3A_16 : vector<1x256xf32> to vector<256x256xf32>
    %add3A_17 = arith.addf %dot_general3A_11, %add3A : vector<256x256xf32>
    %max3A_18 = arith.constant 0.000000e+00 : f32
    %max3A_19 = vector.broadcast %max3A_18 : f32 to vector<256x256xf32>
    %max3A_20 = arith.maximumf %add3A_17, %max3A_19 : vector<256x256xf32>
    %convert_element_type3A_21 = arith.truncf %max3A_20 : vector<256x256xf32> to vector<256x256xbf16>
    %get3A_22 = arith.index_cast %get3A_0 : i32 to index
    %get3A_23 = arith.constant 0 : index
    %get3A_24 = arith.constant 0 : index
    %get3A_25 = vector.load %arg6[%get3A_22, %get3A_23, %get3A_24] : memref<8x256x1024xbf16, #tpu.memory_space<vmem>>, vector<1x256x1024xbf16>
    %get3A_26 = vector.shape_cast %get3A_25 : vector<1x256x1024xbf16> to vector<256x1024xbf16>
    %dot_general3A_27 = arith.constant dense<0.000000e+00> : vector<256x1024xf32>
    %dot_general3A_28 = tpu.matmul %convert_element_type3A_21, %get3A_26, %dot_general3A_27 {dimension_numbers = #tpu.dot_dimension_numbers<[1], [0], [0], [1], [0, 0, 1, 1], [], []>, transpose_lhs_hint = false} : vector<256x256xbf16>, vector<256x1024xbf16>, vector<256x1024xf32> -> vector<256x1024xf32>
    %get3A_29 = arith.index_cast %get3A_0 : i32 to index
    %get3A_30 = arith.constant 0 : index
    %get3A_31 = arith.constant 0 : index
    %get3A_32 = vector.load %arg7[%get3A_29, %get3A_30, %get3A_31] : memref<8x1x1024xf32, #tpu.memory_space<vmem>>, vector<1x1x1024xf32>
    %get3A_33 = vector.shape_cast %get3A_32 : vector<1x1x1024xf32> to vector<1x1024xf32>
    %add3A_34 = vector.broadcast %get3A_33 : vector<1x1024xf32> to vector<256x1024xf32>
    %add3A_35 = arith.addf %dot_general3A_28, %add3A_34 : vector<256x1024xf32>
    %get3A_36 = arith.constant 0 : index
    %get3A_37 = arith.constant 0 : index
    %get3A_38 = vector.load %arg3[%get3A_36, %get3A_37] : memref<256x128xf32, #tpu.memory_space<vmem>>, vector<256x1xf32>
    %mul3A = vector.broadcast %get3A_38 : vector<256x1xf32> to vector<256x1024xf32>
    %mul3A_39 = arith.mulf %mul3A, %add3A_35 : vector<256x1024xf32>
    %add3A_40 = arith.addf %get3A_3, %mul3A_39 : vector<256x1024xf32>
    %swap3A = arith.constant 0 : index
    %swap3A_41 = arith.constant 0 : index
    %swap3A_42 = vector.load %arg8[%swap3A, %swap3A_41] : memref<256x1024xf32, #tpu.memory_space<vmem>>, vector<256x1024xf32>
    tpu.vector_store %arg8[%swap3A, %swap3A_41], %add3A_40 {strides = array<i32>} : memref<256x1024xf32, #tpu.memory_space<vmem>>, vector<256x1024xf32>,
    return
  }
  func.func @transform_0(%arg0: i32, %arg1: memref<24xi32, #tpu.memory_space<smem>>) -> (i32, i32) {
    %c0_i32 = arith.constant 0 : i32
    %c0_i32_0 = arith.constant 0 : i32
    return %arg0, %c0_i32 : i32, i32
  }
  func.func @transform_1(%arg0: i32, %arg1: memref<24xi32, #tpu.memory_space<smem>>) -> (i32, i32) {
    %c0_i32 = arith.constant 0 : i32
    %c0_i32_0 = arith.constant 0 : i32
    return %arg0, %c0_i32 : i32, i32
  }
  func.func @transform_2(%arg0: i32, %arg1: memref<24xi32, #tpu.memory_space<smem>>) -> (i32, i32, i32) {
    %c0_i32 = arith.constant 0 : i32
    %c0_i32_0 = arith.constant 0 : i32
    %c0_i32_1 = arith.constant 0 : i32
    %c0_i32_2 = arith.constant 0 : i32
    return %c0_i32, %c0_i32_0, %c0_i32_1 : i32, i32, i32
  }
  func.func @transform_3(%arg0: i32, %arg1: memref<24xi32, #tpu.memory_space<smem>>) -> (i32, i32, i32) {
    %c0_i32 = arith.constant 0 : i32
    %c0_i32_0 = arith.constant 0 : i32
    %c0_i32_1 = arith.constant 0 : i32
    %c0_i32_2 = arith.constant 0 : i32
    return %c0_i32, %c0_i32_0, %c0_i32_1 : i32, i32, i32
  }
  func.func @transform_4(%arg0: i32, %arg1: memref<24xi32, #tpu.memory_space<smem>>) -> (i32, i32, i32) {
    %c0_i32 = arith.constant 0 : i32
    %c0_i32_0 = arith.constant 0 : i32
    %c0_i32_1 = arith.constant 0 : i32
    %c0_i32_2 = arith.constant 0 : i32
    return %c0_i32, %c0_i32_0, %c0_i32_1 : i32, i32, i32
  }
  func.func @transform_5(%arg0: i32, %arg1: memref<24xi32, #tpu.memory_space<smem>>) -> (i32, i32, i32) {
    %c0_i32 = arith.constant 0 : i32
    %c0_i32_0 = arith.constant 0 : i32
    %c0_i32_1 = arith.constant 0 : i32
    %c0_i32_2 = arith.constant 0 : i32
    return %c0_i32, %c0_i32_0, %c0_i32_1 : i32, i32, i32
  }
  func.func @transform_6(%arg0: i32, %arg1: memref<24xi32, #tpu.memory_space<smem>>) -> (i32, i32) {
    %c0_i32 = arith.constant 0 : i32
    %c0_i32_0 = arith.constant 0 : i32
    return %arg0, %c0_i32 : i32, i32
  }
}

</mosaic_0001>

<sc_bundles>
// kernel: kernel.6.cloned.1.call-start
scs
__scs_entry_jumppad:
0x0: {  	(pc) =	sbr.rel $0x88, $3  }
0x1: {  	(tag) =	ssettag $0x0;
	lr =	simm.s32 $0x1  }
0x2: {  	[smem:$0x3F98] =	sst lr;
	_ =	strace $0xD0000000  }
0x3: {  	_ = 	snop  }
0x4: {  	_ = 	snop  }
0x5: {  	_ = 	snop  }
0x6: {  	_ = 	snop  }
0x7: {  	_ = 	snop  }
__scs_overlays_trampoline_lowered:
0x8: {  	[smem:$0x3FA7] =	sst s0  }
0x9: {  	[smem:$0x3FA8] =	sst s1  }
0xa: {  	[smem:$0x3FA9] =	sst s2  }
0xb: {  	[smem:$0x3FAA] =	sst s3  }
0xc: {  	[smem:$0x3FAB] =	sst s4  }
0xd: {  	[smem:$0x3FAC] =	sst s5  }
0xe: {  	[smem:$0x3FAD] =	sst s6  }
0xf: {  	[smem:$0x3FAE] =	sst s7  }
0x10: {  	[smem:$0x3FAF] =	sst s8  }
0x11: {  	[smem:$0x3FB0] =	sst s9;
	s0 =	simm.s32 @!p0 $0x0  }
0x12: {  	s1 =	sld [smem:$0x3F96];
	s0 =	simm.s32 @p0 $0x1  }
0x13: {  	[smem:$0x3FB1] =	sst s0;
	s0 =	simm.s32 @!p1 $0x0  }
0x14: {  	s2 =	sld [smem:$0x3F95];
	s0 =	simm.s32 @p1 $0x1  }
0x15: {  	[smem:$0x3FB2] =	sst s0;
	s0 =	simm.s32 @!p2 $0x0  }
0x16: {  	s3 =	sld [smem:$0x3FDB];
	s0 =	simm.s32 @p2 $0x1  }
0x17: {  	s4 =	simm.s32 $0x1BF5;
	[smem:$0x3FB4] =	sst s0  }
0x18: {  	s0 =	sld [smem:$0x3F97];
	_ =	swait.ge [sflag:s4], $0x0  }
0x19: {  	s7 =	sld [smem:$0x3F98]  }
0x1a: {  	s8 =	sadd.s32 $0xFFFFE003, lr  }
0x1b: {  	s9 =	sadd.s32 $0xFFFFFEF7, lr;
	s5 =	simm.s32 $0xFFFFFFFF;
	p2 =	slt.u32 s8, $0xFFFFF086  }
0x1c: {  	p1 =	slt.u32 s9, $0xF7A;
	s5 =	simm.s32 @!p2 $0x0  }
0x1d: {  	s5 =	simm.s32 @p1 $0x1;
	p0 =	seq.s32 s7, s2  }
0x1e: {  	s7 =	smul.u32 @!p0 $0xF7A, s2;
	p2 =	seq.s32 @!p0 s5, $0x0  }
0x1f: {  	s9 =	smul.u32 $0xF7A, s1;
	s8 =	simm.s32 @!p0 $0x1BF5;
	p2 =	por !p2, p0  }
0x20: {  	[sflag:s8] =	ssyncset.s32 @!p0 $0xFFFFF086;
	s6 =	sadd.s32 @!p0 s3, s7;
	s7 =	simm.s32 @!p0 $0x108  }
0x21: {  	s3 =	sadd.s32 s3, s9;
	s6 =	sadd.s32 @!p0 $0x88, s6;
	s7 =	simm.s32 @p2 $0x1082  }
0x22: {  	[simem:s7], [sflag:s8] =	dma.local @!p0 [hbm:s6], $0xF7A  }
0x23: {  	s9 =	sor.u32 $0xD0000000, s2;
	s6 =	simm.s32 $0x108;
	_ =	swait.ge @!p0 [sflag:s8], $0x0  }
0x24: {  	s3 =	sadd.s32 $0x88, s3;
	s6 =	simm.s32 @!p1 $0x1082;
	[sflag:s4] =	ssyncset.s32 $0xFFFFF086  }
0x25: {  	[simem:s6], [sflag:s4] =	dma.local [hbm:s3], $0xF7A  }
0x26: {  	[smem:$0x3F98] =	sst s1;
	(tag) =	ssettag s2;
	_ =	strace s9  }
0x27: {  	s1 =	sld [smem:$0x3FA8]  }
0x28: {  	s2 =	sld [smem:$0x3FA9]  }
0x29: {  	s4 =	sld [smem:$0x3FAB]  }
0x2a: {  	p0 =	seq.s32 s5, $0x0;
	s5 =	sld [smem:$0x3FAC]  }
0x2b: {  	s6 =	sld [smem:$0x3FAD]  }
0x2c: {  	s7 =	sld [smem:$0x3FAE]  }
0x2d: {  	s3 =	simm.s32 $0x108;
	s8 =	sld [smem:$0x3FAF]  }
0x2e: {  	s3 =	simm.s32 @!p0 $0x1082;
	s9 =	sld [smem:$0x3FB0]  }
0x2f: {  	lr =	sadd.s32 s0, s3;
	s0 =	sld [smem:$0x3FA7]  }
0x30: {  	s3 =	sld [smem:$0x3FAA]  }
0x31: {  	[smem:$0x3FB3] =	sst s10  }
0x32: {  	s10 =	sld [smem:$0x3FB1];
	_ =	sdelay $0x3  }
0x33: {  	p0 =	seq.s32 s10, $0x1;
	s10 =	sld [smem:$0x3FB3];
	_ =	sdelay $0x3  }
0x34: {  	[smem:$0x3FB3] =	sst s10  }
0x35: {  	s10 =	sld [smem:$0x3FB2];
	_ =	sdelay $0x3  }
0x36: {  	p1 =	seq.s32 s10, $0x1;
	s10 =	sld [smem:$0x3FB3];
	_ =	sdelay $0x3  }
0x37: {  	[smem:$0x3FB3] =	sst s10  }
0x38: {  	s10 =	sld [smem:$0x3FB4]  }
0x39: {  	_ = 	snop;
	(pc) =	sbr.ind lr, $3  }
0x3a: {  	_ = 	snop  }
0x3b: {  	_ = 	snop  }
0x3c: {  	p2 =	seq.s32 s10, $0x1;
	s10 =	sld [smem:$0x3FB3]  }
0x3d: {  	_ =	shalt  }
0x3e: {  	_ =	shalt  }
0x3f: {  	_ =	shalt  }
0x40: {  	_ =	shalt  }
0x41: {  	_ =	shalt  }
0x42: {  	_ =	shalt  }
0x43: {  	_ =	shalt  }
0x44: {  	_ =	shalt  }
0x45: {  	_ =	shalt  }
0x46: {  	_ =	shalt  }
0x47: {  	_ =	shalt  }
0x48: {  	_ =	shalt  }
0x49: {  	_ =	shalt  }
0x4a: {  	_ =	shalt  }
0x4b: {  	_ =	shalt  }
0x4c: {  	_ =	shalt  }
0x4d: {  	_ =	shalt  }
0x4e: {  	_ =	shalt  }
0x4f: {  	_ =	shalt  }
0x50: {  	_ =	shalt  }
0x51: {  	_ =	shalt  }
0x52: {  	_ =	shalt  }
0x53: {  	_ =	shalt  }
0x54: {  	_ =	shalt  }
0x55: {  	_ =	shalt  }
0x56: {  	_ =	shalt  }
0x57: {  	_ =	shalt  }
0x58: {  	_ =	shalt  }
0x59: {  	_ =	shalt  }
0x5a: {  	_ =	shalt  }
0x5b: {  	_ =	shalt  }
0x5c: {  	_ =	shalt  }
0x5d: {  	_ =	shalt  }
0x5e: {  	_ =	shalt  }
0x5f: {  	_ =	shalt  }
0x60: {  	_ =	shalt  }
0x61: {  	_ =	shalt  }
0x62: {  	_ =	shalt  }
0x63: {  	_ =	shalt  }
0x64: {  	_ =	shalt  }
0x65: {  	_ =	shalt  }
0x66: {  	_ =	shalt  }
0x67: {  	_ =	shalt  }
0x68: {  	_ =	shalt  }
0x69: {  	_ =	shalt  }
0x6a: {  	_ =	shalt  }
0x6b: {  	_ =	shalt  }
0x6c: {  	_ =	shalt  }
0x6d: {  	_ =	shalt  }
0x6e: {  	_ =	shalt  }
0x6f: {  	_ =	shalt  }
0x70: {  	_ =	shalt  }
0x71: {  	_ =	shalt  }
0x72: {  	_ =	shalt  }
0x73: {  	_ =	shalt  }
0x74: {  	_ =	shalt  }
0x75: {  	_ =	shalt  }
0x76: {  	_ =	shalt  }
0x77: {  	_ =	shalt  }
0x78: {  	_ =	shalt  }
0x79: {  	_ =	shalt  }
0x7a: {  	_ =	shalt  }
0x7b: {  	_ =	shalt  }
0x7c: {  	_ =	shalt  }
0x7d: {  	_ =	shalt  }
0x7e: {  	_ =	shalt  }
0x7f: {  	_ =	shalt  }
0x80: {  	_ =	shalt  }
0x81: {  	_ =	shalt  }
0x82: {  	_ =	shalt  }
0x83: {  	_ =	shalt  }
0x84: {  	_ =	shalt  }
0x85: {  	_ =	shalt  }
0x86: {  	_ =	shalt  }
0x87: {  	_ =	shalt  }
.Lfunc_end0:
.L_simem_size_0:
called_computation_lowered:
.L_overlay_start_0:
0x88: {  	s2 =	sld [smem:$0x3FD9]  }
0x89: {  	s3 =	sld [smem:$0x3FFE];
	_ =	sdelay $0x1  }
0x8a: {  	s1 =	srdreg.scid  }
0x8b: {  	s0 =	sand.u32 $0x1, s1  }
0x8c: {  	s14 =	sshll.u32 s0, $0xA;
	s2 =	sadd.s32 s3, s2  }
0x8d: {  	s2 =	sadd.s32 s2, s14  }
0x8e: {  	[smem:$0x3FBF] =	sst s2  }
0x8f: {  	_ = 	snop  }
0x90: {  	s2 =	sld [smem:$0x3FD0];
	_ =	sdelay $0x2  }
0x91: {  	s4 =	simm.s32 $0xA;
	s5 =	simm.s32 $0x10;
	s15 =	sld [smem:$0x3FC9]  }
0x92: {  	[smem:s5], [sflag:s4] =	dma.local [hbm:s2], $0x1  }
0x93: {  	_ =	swait.eq [sflag:s4], $0x1  }
0x94: {  	[sflag:s4] =	ssyncset.done $0x0  }
0x95: {  	[sflag:s4] =	ssyncadd.s32 $0xFFFFFFFF  }
0x96: {  	s16 =	sld [smem:$0x10];
	(tm) =	ssettm $0x1  }
0x97: {  	s17 =	sld [smem:$0x3FFB];
	_ =	sdelay $0x3  }
0x98: {  	_ =	strace s17  }
0x99: {  	s4 =	sld [smem:$0x3FFC];
	_ =	sdelay $0x3  }
0x9a: {  	_ =	strace s4  }
0x9b: {  	s4 =	sld [smem:$0x3FFD];
	_ =	sdelay $0x3  }
0x9c: {  	_ =	strace s4  }
0x9d: {  	_ =	strace $0x8FFFFFFF  }
0x9e: {  	s18 =	sld [smem:$0x3FDB];
	_ =	sdelay $0x1  }
0x9f: {  	s19 =	simm.s32 $_scs_section_size  }
0xa0: {  	s6 =	simm.s32 $_size__tile_overlayer_lowered;
	s7 =	simm.s32 $_tile_overlayer_lowered  }
0xa1: {  	s22 =	simm.s32 $0x1BFF;
	s21 =	sshll.u32 s7, $0x1;
	s4 =	sadd.s32 s19, s18  }
0xa2: {  	s8 =	simm.s32 $0x0;
	s20 =	sshll.u32 s6, $0x1;
	s6 =	sadd.s32 s21, s4  }
0xa3: {  	[timem:s8], [sflag:s22] =	dma.local [hbm:s6], s20  }
0xa4: {  	_ =	swait.ge [sflag:s22], s20  }
0xa5: {  	s5 =	ssub.s32 $0x0, s20;
	[sflag:s22] =	ssyncset.done $0x0  }
0xa6: {  	[sflag:s22] =	ssyncadd.s32 s5;
	_ =	sdelay $0x1  }
0xa7: {  	s23 =	simm.s32 $0x1B8B  }
0xa8: {  	_ =	swait.ge [sflag:s23], $0x1  }
0xa9: {  	[sflag:s23] =	ssyncset.done $0x0  }
0xaa: {  	s25 =	simm.s32 $0x1B8E;
	s24 =	sld [smem:$0x3FFE];
	[sflag:s23] =	ssyncadd.s32 $0xFFFFFFFF  }
0xab: {  	s26 =	simm.s32 $execute0_lowered;
	[smem:$0x3FD2] =	sst s25  }
0xac: {  	s6 =	sshll.u32 s26, $0x1;
	_ =	strace $0x80000046;
	[dreg:$0x1] =	wrdreg $0xFFFFFFFF  }
0xad: {  	s28 =	simm.s32 $_size_execute0_lowered;
	s4 =	sadd.s32 s4, s6;
	[dreg:$0x0] =	wrdreg $0x0  }
0xae: {  	s6 =	sshll.u32 s28, $0x1;
	[dreg:$0x2] =	wrdreg s4  }
0xaf: {  	[dreg:$0x3] =	wrdreg s6  }
0xb0: {  	[dreg:$0x4] =	wrdreg $0xC0  }
0xb1: {  	_ =	task [dreg:s8], $0x5FFFF  }
0xb2: {  	[dreg:$0x1] =	wrdreg $0xFFFFFFFF  }
0xb3: {  	[dreg:$0x0] =	wrdreg $0x60  }
0xb4: {  	[dreg:$0x2] =	wrdreg s15  }
0xb5: {  	[dreg:$0x3] =	wrdreg s24  }
0xb6: {  	[dreg:$0x4] =	wrdreg s16  }
0xb7: {  	[dreg:$0x5] =	wrdreg $0x9  }
0xb8: {  	_ =	task.clear_ibuf [dreg:s8], $0x6FFFF;
	_ =	strace $0x90000046  }
0xb9: {  	s29 =	simm.s32 $0x9;
	_ =	strace $0x80000048  }
0xba: {  	_ =	swait.ge [sflag:s29], $0x1  }
0xbb: {  	[sflag:s29] =	ssyncadd.s32 $0xFFFFFFFF  }
0xbc: {  	_ =	strace $0x90000048  }
0xbd: {  	_ =	sfence  }
0xbe: {  	s30 =	sld [smem:$0x0];
	_ =	sdelay $0x2  }
0xbf: {  	s31 =	sshll.u32 s1, $0xD;
	s1 =	sshrl.u32 s1, $0x2  }
0xc0: {  	s3 =	sand.u32 $0x4000, s31;
	s1 =	sadd.s32 s1, s30  }
0xc1: {  	s0 =	sor.u32 s3, s0;
	s1 =	sshll.u32 s1, $0x11  }
0xc2: {  	s0 =	sor.u32 s1, s0  }
0xc3: {  	s0 =	sadd.s32 $0x8F2B, s0  }
0xc4: {  	[sflag:s0] =	ssyncadd.remote.s32 $0x1  }
0xc5: {  	_ =	sfence.sel $0xFFFF  }
0xc6: {  	[dreg:$0x0] =	wrdreg $0xFFFFFFFF;
	(pc) =	sbr.abs _section_cstart, $3  }
0xc7: {  	[dreg:$0x1] =	wrdreg $0xFFFFFFFF  }
0xc8: {  	_ =	task.clear_ibuf [dreg:s8], $0x2FFFF;
	_ =	strace $0x9FFFFFFF  }
0xc9: {  	(tm) =	ssettm $0x7FFFFFFF  }
tec
execute0_lowered:
.L_overlay_start_1:
0x0: {  	(tag) =	ssettag $0x1  }
0x1: {  	s0 =	rddreg [dreg:$0x0]  }
0x2: {  	s1 =	rddreg [dreg:$0x1];
	s3 =	simm.s32 $0x0;
	s2 =	srdreg.scid  }
0x3: {  	s4 =	stileid.u32;
	s24 =	simm.s32 $0x80;
	s31 =	simm.s32 $0x4300  }
0x4: {  	s30 =	simm.s32 $0x9B00;
	s28 =	simm.s32 $0xF300;
	s29 =	simm.s32 $0xFB00  }
0x5: {  	[smem:$0x7FF] =	sst s3;
	s2 =	sand.u32 $0x1, s2;
	s6 =	sadd.s32 $0x11800, s1  }
0x6: {  	s4 =	sshll.u32 s4, $0x8;
	s7 =	sadd.s32 $0x1800, s1;
	_ =	strace $0x80000047  }
0x7: {  	s5 =	sshll.u32 s2, $0x7;
	s2 =	ssub.s32 $0x2, s2;
	[dreg:$0xc] =	wrdreg s24  }
0x8: {  	s24 =	simm.s32 $0xDB00;
	s8 =	sor.u32 s5, s4;
	s25 =	sshrl.u32 s2, $0x1  }
0x9: {  	s4 =	sadd.s32 $0x11A00, s1;
	s9 =	sor.u32 $0x20, s8;
	s2 =	ssub.s32 s2, s25  }
0xa: {  	s26 =	sshrl.u32 s8, $0x3;
	s11 =	sor.u32 $0x60, s8;
	s14 =	sshll.u32 s8, $0x4  }
0xb: {  	s25 =	simm.s32 $0x100;
	s10 =	sshrl.u32 s9, $0x3;
	s5 =	sadd.s32 s6, s26  }
0xc: {  	s12 =	sshrl.u32 s11, $0x3;
	s15 =	sadd.s32 s7, s14;
	s18 =	sshll.u32 s9, $0x7  }
0xd: {  	s22 =	sshll.u32 s11, $0x7;
	s9 =	sadd.s32 $0x11D00, s1;
	[dreg:$0xd] =	wrdreg s25  }
0xe: {  	s26 =	simm.s32 $0x180;
	s11 =	simm.s32 $0x6;
	s14 =	simm.s32 $0xB300  }
0xf: {  	s25 =	simm.s32 $0xE300;
	[dreg:$0xf] =	wrdreg s5;
	s10 =	sadd.s32 s6, s10  }
0x10: {  	s5 =	sor.u32 $0x40, s8;
	s12 =	sadd.s32 s6, s12;
	[dreg:$0x6] =	wrdreg s15  }
0x11: {  	s8 =	sshll.u32 s8, $0x7;
	s19 =	sadd.s32 s0, s18;
	[dreg:$0xe] =	wrdreg s26  }
0x12: {  	s18 =	simm.s32 $0x8300;
	s26 =	simm.s32 $0xEB00;
	[dreg:$0x4] =	wrdreg s10  }
0x13: {  	s13 =	sshrl.u32 s5, $0x3;
	[dreg:$0x5] =	wrdreg s12;
	s16 =	sshll.u32 s5, $0x4  }
0x14: {  	s17 =	sadd.s32 s0, s8;
	s20 =	sshll.u32 s5, $0x7;
	[dreg:$0x9] =	wrdreg s19  }
0x15: {  	s8 =	sadd.s32 $0x11C00, s1;
	s10 =	smax.u32 s2, $0x1;
	s7 =	sadd.s32 s7, s16  }
0x16: {  	[dreg:$0x8] =	wrdreg s17;
	s21 =	sadd.s32 s0, s20;
	s23 =	sadd.s32 s6, s13  }
0x17: {  	s0 =	sadd.s32 s0, s22;
	s17 =	simm.s32 $0x300;
	[dreg:$0x7] =	wrdreg s7  }
0x18: {  	s13 =	simm.s32 $0x3;
	s22 =	simm.s32 $0x9300;
	[dreg:$0x10] =	wrdreg s23  }
0x19: {  	v2 =	vlaneseq.u32;
	s6 =	simm.s32 $0xAB00;
	s16 =	simm.s32 $0xBB00;
	[dreg:$0xa] =	wrdreg s21  }
0x1a: {  	vm0 =	vmmov $0xffff;
	v1 =	vshrl.u32 v2, $0x3;
	s20 =	simm.s32 $0xCB00;
	s7 =	sadd.s32 $0x11B00, s1;
	[dreg:$0xb] =	wrdreg s0  }
0x1b: {  	v0 =	vand.u32 $0x7, v2;
	v2 =	vor.u32 $0x8, v2;
	v1 =	vmul.u32 $0x8, v1;
	s1 =	simm.s32 $0x5;
	s23 =	simm.s32 $0x8B00;
	s21 =	simm.s32 $0xD300  }
.LBB2_1:
0x1c: {  	s0 =	rddreg [dreg:$0xf]  }
0x1d: {  	[tilespmem:s3], [sflag:$0x6] =	stream.linear.gather [hbm4b:s0+s3], $0x20, $0x38;
	[tilespmem:$0x14300] =	vst v63  }
0x1e: {  	_ =	swait.ge [sflag:s11], $0x20  }
0x1f: {  	s15 =	rddreg [dreg:$0x4];
	[sflag:s11] =	ssyncset.done $0x0  }
0x20: {  	s19 =	rddreg [dreg:$0xc];
	[sflag:s11] =	ssyncadd.s32 $0xFFFFFFE0  }
0x21: {  	[tilespmem:s19], [sflag:$0x6] =	stream.linear.gather [hbm4b:s15+s3], $0x20, $0x38;
	[tilespmem:$0x14300] =	vst v63  }
0x22: {  	_ =	swait.ge [sflag:s11], $0x20  }
0x23: {  	s19 =	rddreg [dreg:$0xd];
	[sflag:s11] =	ssyncset.done $0x0  }
0x24: {  	s5 =	rddreg [dreg:$0x10];
	[sflag:s11] =	ssyncadd.s32 $0xFFFFFFE0  }
0x25: {  	[tilespmem:s19], [sflag:$0x6] =	stream.linear.gather [hbm4b:s5+s3], $0x20, $0x38;
	[tilespmem:$0x14300] =	vst v63  }
0x26: {  	_ =	swait.ge [sflag:s11], $0x20  }
0x27: {  	s2 =	rddreg [dreg:$0x5];
	[sflag:s11] =	ssyncset.done $0x0  }
0x28: {  	s12 =	rddreg [dreg:$0xe];
	[sflag:s11] =	ssyncadd.s32 $0xFFFFFFE0  }
0x29: {  	[tilespmem:s12], [sflag:$0x6] =	stream.linear.gather [hbm4b:s2+s3], $0x20, $0x38;
	[tilespmem:$0x14300] =	vst v63  }
0x2a: {  	_ =	swait.ge [sflag:s11], $0x20  }
0x2b: {  	[sflag:s11] =	ssyncset.done $0x0  }
0x2c: {  	s2 =	simm.s32 $0x200;
	[sflag:s11] =	ssyncadd.s32 $0xFFFFFFE0  }
0x2d: {  	[tilespmem:s2], [sflag:$0x6] =	stream.linear.gather [hbm4b:s0+s3], $0x40, $0x38;
	[tilespmem:$0x14300] =	vst v63  }
0x2e: {  	_ =	swait.ge [sflag:s11], $0x40  }
0x2f: {  	[sflag:s11] =	ssyncset.done $0x0  }
0x30: {  	s2 =	simm.s32 $0x280;
	[sflag:s11] =	ssyncadd.s32 $0xFFFFFFC0  }
0x31: {  	[tilespmem:s2], [sflag:$0x6] =	stream.linear.gather [hbm4b:s5+s3], $0x40, $0x38;
	[tilespmem:$0x14300] =	vst v63  }
0x32: {  	_ =	swait.ge [sflag:s11], $0x40  }
0x33: {  	[sflag:s11] =	ssyncset.done $0x0  }
0x34: {  	s12 =	simm.s32 $0x10300;
	s5 =	rddreg [dreg:$0x6];
	[sflag:s11] =	ssyncadd.s32 $0xFFFFFFC0  }
0x35: {  	[tilespmem:s12], [sflag:$0x5] =	stream.linear.gather [hbm4b:s5+s3], $0x2000, $0x38;
	[tilespmem:$0x14300] =	vst v63  }
0x36: {  	s19 =	rddreg [dreg:$0x7];
	s5 =	simm.s32 $0x12300  }
0x37: {  	[tilespmem:s5], [sflag:$0x5] =	stream.linear.gather [hbm4b:s19+s3], $0x2000, $0x38;
	[tilespmem:$0x14300] =	vst v63  }
0x38: {  	s2 =	rddreg [dreg:$0x8]  }
0x39: {  	[tilespmem:s17], [sflag:$0x1] =	stream.linear.gather [hbm4b:s2+s3], $0x8000, $0x38;
	[tilespmem:$0x14300] =	vst v63  }
0x3a: {  	s12 =	rddreg [dreg:$0x9]  }
0x3b: {  	[tilespmem:s18], [sflag:$0x2] =	stream.linear.gather [hbm4b:s12+s3], $0x8000, $0x38;
	[tilespmem:$0x14300] =	vst v63  }
0x3c: {  	s12 =	simm.s32 $0x1  }
0x3d: {  	_ =	swait.ge [sflag:s12], $0x8000  }
0x3e: {  	[sflag:s12] =	ssyncset.done $0x0  }
0x3f: {  	[sflag:s12] =	ssyncadd.s32 $0xFFFF8000  }
0x40: {  	v3 =	vld [tilespmem:$0x0];
	_ =	sdelay $0x4  }
0x41: {  	v4 =	vshll.u32 v3, $0x3  }
0x42: {  	v3 =	vand.u32 $0x7, v3;
	v4 =	vand.u32 $0xFFFFFFC0, v4  }
0x43: {  	v3 =	vor.u32 v3, v4  }
0x44: {  	v4 =	vperm.xlane v3, v0;
	_ =	sdelay $0x1  }
0x45: {  	v4 =	vadd.s32 v1, v4;
	_ =	sdelay $0x4  }
0x46: {  	[hbm4b:s4+s3] =	stream.indirect_vreg.scatter [tilespmem:s17], [sflag:$0x3], $0x80, v4, vm0, $0xb8;
	[tilespmem:$0x14300] =	vst v63  }
0x47: {  	s19 =	simm.s32 $0xB00;
	v3 =	vperm.xlane v3, v2  }
0x48: {  	[hbm4b:s7+s3] =	stream.indirect_vreg.scatter [tilespmem:s19], [sflag:$0x3], $0x80, v4, vm0, $0xb8;
	[tilespmem:$0x14300] =	vst v63  }
0x49: {  	s2 =	simm.s32 $0x1300;
	v3 =	vadd.s32 v1, v3  }
0x4a: {  	[hbm4b:s8+s3] =	stream.indirect_vreg.scatter [tilespmem:s2], [sflag:$0x3], $0x80, v4, vm0, $0xb8;
	[tilespmem:$0x14300] =	vst v63  }
0x4b: {  	s5 =	simm.s32 $0x1B00  }
0x4c: {  	[hbm4b:s9+s3] =	stream.indirect_vreg.scatter [tilespmem:s5], [sflag:$0x3], $0x80, v4, vm0, $0xb8;
	[tilespmem:$0x14300] =	vst v63  }
0x4d: {  	s15 =	simm.s32 $0x2300  }
0x4e: {  	[hbm4b:s4+s3] =	stream.indirect_vreg.scatter [tilespmem:s15], [sflag:$0x3], $0x80, v3, vm0, $0xb8;
	[tilespmem:$0x14300] =	vst v63  }
0x4f: {  	s19 =	simm.s32 $0x2B00  }
0x50: {  	[hbm4b:s7+s3] =	stream.indirect_vreg.scatter [tilespmem:s19], [sflag:$0x3], $0x80, v3, vm0, $0xb8;
	[tilespmem:$0x14300] =	vst v63  }
0x51: {  	s2 =	simm.s32 $0x3300  }
0x52: {  	[hbm4b:s8+s3] =	stream.indirect_vreg.scatter [tilespmem:s2], [sflag:$0x3], $0x80, v3, vm0, $0xb8;
	[tilespmem:$0x14300] =	vst v63  }
0x53: {  	s5 =	simm.s32 $0x3B00  }
0x54: {  	[hbm4b:s9+s3] =	stream.indirect_vreg.scatter [tilespmem:s5], [sflag:$0x3], $0x80, v3, vm0, $0xb8;
	[tilespmem:$0x14300] =	vst v63  }
0x55: {  	v3 =	vld [tilespmem:$0x10];
	_ =	sdelay $0x4  }
0x56: {  	v57 =	vshll.u32 v3, $0x3  }
0x57: {  	v3 =	vand.u32 $0x7, v3;
	v4 =	vand.u32 $0xFFFFFFC0, v57  }
0x58: {  	v3 =	vor.u32 v3, v4  }
0x59: {  	v4 =	vperm.xlane v3, v0;
	_ =	sdelay $0x1  }
0x5a: {  	v4 =	vadd.s32 v1, v4;
	_ =	sdelay $0x4  }
0x5b: {  	[hbm4b:s4+s3] =	stream.indirect_vreg.scatter [tilespmem:s31], [sflag:$0x3], $0x80, v4, vm0, $0xb8;
	[tilespmem:$0x14300] =	vst v63  }
0x5c: {  	s15 =	simm.s32 $0x4B00;
	v3 =	vperm.xlane v3, v2  }
0x5d: {  	[hbm4b:s7+s3] =	stream.indirect_vreg.scatter [tilespmem:s15], [sflag:$0x3], $0x80, v4, vm0, $0xb8;
	[tilespmem:$0x14300] =	vst v63  }
0x5e: {  	s19 =	simm.s32 $0x5300;
	v3 =	vadd.s32 v1, v3  }
0x5f: {  	[hbm4b:s8+s3] =	stream.indirect_vreg.scatter [tilespmem:s19], [sflag:$0x3], $0x80, v4, vm0, $0xb8;
	[tilespmem:$0x14300] =	vst v63  }
0x60: {  	s2 =	simm.s32 $0x5B00  }
0x61: {  	[hbm4b:s9+s3] =	stream.indirect_vreg.scatter [tilespmem:s2], [sflag:$0x3], $0x80, v4, vm0, $0xb8;
	[tilespmem:$0x14300] =	vst v63  }
0x62: {  	s5 =	simm.s32 $0x6300  }
0x63: {  	[hbm4b:s4+s3] =	stream.indirect_vreg.scatter [tilespmem:s5], [sflag:$0x3], $0x80, v3, vm0, $0xb8;
	[tilespmem:$0x14300] =	vst v63  }
0x64: {  	s15 =	simm.s32 $0x6B00  }
0x65: {  	[hbm4b:s7+s3] =	stream.indirect_vreg.scatter [tilespmem:s15], [sflag:$0x3], $0x80, v3, vm0, $0xb8;
	[tilespmem:$0x14300] =	vst v63  }
0x66: {  	s19 =	simm.s32 $0x7300  }
0x67: {  	[hbm4b:s8+s3] =	stream.indirect_vreg.scatter [tilespmem:s19], [sflag:$0x3], $0x80, v3, vm0, $0xb8;
	[tilespmem:$0x14300] =	vst v63  }
0x68: {  	s2 =	simm.s32 $0x7B00  }
0x69: {  	[hbm4b:s9+s3] =	stream.indirect_vreg.scatter [tilespmem:s2], [sflag:$0x3], $0x80, v3, vm0, $0xb8;
	[tilespmem:$0x14300] =	vst v63  }
0x6a: {  	_ =	swait.ge [sflag:s13], $0x8000  }
0x6b: {  	[sflag:s13] =	ssyncset.done $0x0  }
0x6c: {  	s2 =	simm.s32 $0x2;
	s5 =	rddreg [dreg:$0xa];
	[sflag:s13] =	ssyncadd.s32 $0xFFFF8000  }
0x6d: {  	[tilespmem:s17], [sflag:$0x1] =	stream.linear.gather [hbm4b:s5+s3], $0x8000, $0x38;
	[tilespmem:$0x14300] =	vst v63  }
0x6e: {  	_ =	swait.ge [sflag:s2], $0x8000  }
0x6f: {  	[sflag:s2] =	ssyncset.done $0x0  }
0x70: {  	[sflag:s2] =	ssyncadd.s32 $0xFFFF8000  }
0x71: {  	v3 =	vld [tilespmem:$0x80];
	_ =	sdelay $0x4  }
0x72: {  	v58 =	vshll.u32 v3, $0x3  }
0x73: {  	v3 =	vand.u32 $0x7, v3;
	v4 =	vand.u32 $0xFFFFFFC0, v58  }
0x74: {  	v3 =	vor.u32 v3, v4  }
0x75: {  	v4 =	vperm.xlane v3, v0;
	_ =	sdelay $0x1  }
0x76: {  	v4 =	vadd.s32 v1, v4;
	_ =	sdelay $0x4  }
0x77: {  	[hbm4b:s4+s3] =	stream.indirect_vreg.scatter [tilespmem:s18], [sflag:$0x4], $0x80, v4, vm0, $0xb8;
	[tilespmem:$0x14300] =	vst v63  }
0x78: {  	v3 =	vperm.xlane v3, v2  }
0x79: {  	[hbm4b:s7+s3] =	stream.indirect_vreg.scatter [tilespmem:s23], [sflag:$0x4], $0x80, v4, vm0, $0xb8;
	[tilespmem:$0x14300] =	vst v63  }
0x7a: {  	v3 =	vadd.s32 v1, v3  }
0x7b: {  	[hbm4b:s8+s3] =	stream.indirect_vreg.scatter [tilespmem:s22], [sflag:$0x4], $0x80, v4, vm0, $0xb8;
	[tilespmem:$0x14300] =	vst v63  }
0x7c: {  	_ = 	snop  }
0x7d: {  	[hbm4b:s9+s3] =	stream.indirect_vreg.scatter [tilespmem:s30], [sflag:$0x4], $0x80, v4, vm0, $0xb8;
	[tilespmem:$0x14300] =	vst v63  }
0x7e: {  	s5 =	simm.s32 $0xA300  }
0x7f: {  	[hbm4b:s4+s3] =	stream.indirect_vreg.scatter [tilespmem:s5], [sflag:$0x4], $0x80, v3, vm0, $0xb8;
	[tilespmem:$0x14300] =	vst v63  }
0x80: {  	_ = 	snop  }
0x81: {  	[hbm4b:s7+s3] =	stream.indirect_vreg.scatter [tilespmem:s6], [sflag:$0x4], $0x80, v3, vm0, $0xb8;
	[tilespmem:$0x14300] =	vst v63  }
0x82: {  	_ = 	snop  }
0x83: {  	[hbm4b:s8+s3] =	stream.indirect_vreg.scatter [tilespmem:s14], [sflag:$0x4], $0x80, v3, vm0, $0xb8;
	[tilespmem:$0x14300] =	vst v63  }
0x84: {  	_ = 	snop  }
0x85: {  	[hbm4b:s9+s3] =	stream.indirect_vreg.scatter [tilespmem:s16], [sflag:$0x4], $0x80, v3, vm0, $0xb8;
	[tilespmem:$0x14300] =	vst v63  }
0x86: {  	v3 =	vld [tilespmem:$0x90];
	_ =	sdelay $0x4  }
0x87: {  	v59 =	vshll.u32 v3, $0x3  }
0x88: {  	v3 =	vand.u32 $0x7, v3;
	v4 =	vand.u32 $0xFFFFFFC0, v59  }
0x89: {  	v3 =	vor.u32 v3, v4  }
0x8a: {  	v4 =	vperm.xlane v3, v0;
	_ =	sdelay $0x1  }
0x8b: {  	v4 =	vadd.s32 v1, v4;
	_ =	sdelay $0x3  }
0x8c: {  	s19 =	simm.s32 $0xC300  }
0x8d: {  	[hbm4b:s4+s3] =	stream.indirect_vreg.scatter [tilespmem:s19], [sflag:$0x4], $0x80, v4, vm0, $0xb8;
	[tilespmem:$0x14300] =	vst v63  }
0x8e: {  	v3 =	vperm.xlane v3, v2  }
0x8f: {  	[hbm4b:s7+s3] =	stream.indirect_vreg.scatter [tilespmem:s20], [sflag:$0x4], $0x80, v4, vm0, $0xb8;
	[tilespmem:$0x14300] =	vst v63  }
0x90: {  	v3 =	vadd.s32 v1, v3  }
0x91: {  	[hbm4b:s8+s3] =	stream.indirect_vreg.scatter [tilespmem:s21], [sflag:$0x4], $0x80, v4, vm0, $0xb8;
	[tilespmem:$0x14300] =	vst v63  }
0x92: {  	_ = 	snop  }
0x93: {  	[hbm4b:s9+s3] =	stream.indirect_vreg.scatter [tilespmem:s24], [sflag:$0x4], $0x80, v4, vm0, $0xb8;
	[tilespmem:$0x14300] =	vst v63  }
0x94: {  	_ = 	snop  }
0x95: {  	[hbm4b:s4+s3] =	stream.indirect_vreg.scatter [tilespmem:s25], [sflag:$0x4], $0x80, v3, vm0, $0xb8;
	[tilespmem:$0x14300] =	vst v63  }
0x96: {  	_ = 	snop  }
0x97: {  	[hbm4b:s7+s3] =	stream.indirect_vreg.scatter [tilespmem:s26], [sflag:$0x4], $0x80, v3, vm0, $0xb8;
	[tilespmem:$0x14300] =	vst v63  }
0x98: {  	_ = 	snop  }
0x99: {  	[hbm4b:s8+s3] =	stream.indirect_vreg.scatter [tilespmem:s28], [sflag:$0x4], $0x80, v3, vm0, $0xb8;
	[tilespmem:$0x14300] =	vst v63  }
0x9a: {  	s0 =	simm.s32 $0x4  }
0x9b: {  	[hbm4b:s9+s3] =	stream.indirect_vreg.scatter [tilespmem:s29], [sflag:$0x4], $0x80, v3, vm0, $0xb8;
	[tilespmem:$0x14300] =	vst v63  }
0x9c: {  	_ =	swait.ge [sflag:s0], $0x8000  }
0x9d: {  	[sflag:s0] =	ssyncset.done $0x0  }
0x9e: {  	s15 =	rddreg [dreg:$0xb];
	[sflag:s0] =	ssyncadd.s32 $0xFFFF8000  }
0x9f: {  	[tilespmem:s18], [sflag:$0x2] =	stream.linear.gather [hbm4b:s15+s3], $0x8000, $0x38;
	[tilespmem:$0x14300] =	vst v63  }
0xa0: {  	_ =	swait.ge [sflag:s12], $0x8000  }
0xa1: {  	[sflag:s12] =	ssyncset.done $0x0  }
0xa2: {  	[sflag:s12] =	ssyncadd.s32 $0xFFFF8000  }
0xa3: {  	v3 =	vld [tilespmem:$0x100];
	_ =	sdelay $0x4  }
0xa4: {  	v60 =	vshll.u32 v3, $0x3  }
0xa5: {  	v3 =	vand.u32 $0x7, v3;
	v4 =	vand.u32 $0xFFFFFFC0, v60  }
0xa6: {  	v3 =	vor.u32 v3, v4  }
0xa7: {  	v4 =	vperm.xlane v3, v0;
	_ =	sdelay $0x1  }
0xa8: {  	v4 =	vadd.s32 v1, v4;
	_ =	sdelay $0x4  }
0xa9: {  	[hbm4b:s4+s3] =	stream.indirect_vreg.scatter [tilespmem:s17], [sflag:$0x3], $0x80, v4, vm0, $0xb8;
	[tilespmem:$0x14300] =	vst v63  }
0xaa: {  	s15 =	simm.s32 $0xB00;
	v3 =	vperm.xlane v3, v2  }
0xab: {  	[hbm4b:s7+s3] =	stream.indirect_vreg.scatter [tilespmem:s15], [sflag:$0x3], $0x80, v4, vm0, $0xb8;
	[tilespmem:$0x14300] =	vst v63  }
0xac: {  	v3 =	vadd.s32 v1, v3;
	s15 =	simm.s32 $0x1300  }
0xad: {  	[hbm4b:s8+s3] =	stream.indirect_vreg.scatter [tilespmem:s15], [sflag:$0x3], $0x80, v4, vm0, $0xb8;
	[tilespmem:$0x14300] =	vst v63  }
0xae: {  	s15 =	simm.s32 $0x1B00  }
0xaf: {  	[hbm4b:s9+s3] =	stream.indirect_vreg.scatter [tilespmem:s15], [sflag:$0x3], $0x80, v4, vm0, $0xb8;
	[tilespmem:$0x14300] =	vst v63  }
0xb0: {  	s15 =	simm.s32 $0x2300  }
0xb1: {  	[hbm4b:s4+s3] =	stream.indirect_vreg.scatter [tilespmem:s15], [sflag:$0x3], $0x80, v3, vm0, $0xb8;
	[tilespmem:$0x14300] =	vst v63  }
0xb2: {  	s15 =	simm.s32 $0x2B00  }
0xb3: {  	[hbm4b:s7+s3] =	stream.indirect_vreg.scatter [tilespmem:s15], [sflag:$0x3], $0x80, v3, vm0, $0xb8;
	[tilespmem:$0x14300] =	vst v63  }
0xb4: {  	s15 =	simm.s32 $0x3300  }
0xb5: {  	[hbm4b:s8+s3] =	stream.indirect_vreg.scatter [tilespmem:s15], [sflag:$0x3], $0x80, v3, vm0, $0xb8;
	[tilespmem:$0x14300] =	vst v63  }
0xb6: {  	s15 =	simm.s32 $0x3B00  }
0xb7: {  	[hbm4b:s9+s3] =	stream.indirect_vreg.scatter [tilespmem:s15], [sflag:$0x3], $0x80, v3, vm0, $0xb8;
	[tilespmem:$0x14300] =	vst v63  }
0xb8: {  	v3 =	vld [tilespmem:$0x110];
	_ =	sdelay $0x4  }
0xb9: {  	v61 =	vshll.u32 v3, $0x3  }
0xba: {  	v3 =	vand.u32 $0x7, v3;
	v4 =	vand.u32 $0xFFFFFFC0, v61  }
0xbb: {  	v3 =	vor.u32 v3, v4  }
0xbc: {  	v4 =	vperm.xlane v3, v0;
	_ =	sdelay $0x1  }
0xbd: {  	v4 =	vadd.s32 v1, v4;
	_ =	sdelay $0x4  }
0xbe: {  	[hbm4b:s4+s3] =	stream.indirect_vreg.scatter [tilespmem:s31], [sflag:$0x3], $0x80, v4, vm0, $0xb8;
	[tilespmem:$0x14300] =	vst v63  }
0xbf: {  	s15 =	simm.s32 $0x4B00;
	v3 =	vperm.xlane v3, v2  }
0xc0: {  	[hbm4b:s7+s3] =	stream.indirect_vreg.scatter [tilespmem:s15], [sflag:$0x3], $0x80, v4, vm0, $0xb8;
	[tilespmem:$0x14300] =	vst v63  }
0xc1: {  	v3 =	vadd.s32 v1, v3;
	s15 =	simm.s32 $0x5300  }
0xc2: {  	[hbm4b:s8+s3] =	stream.indirect_vreg.scatter [tilespmem:s15], [sflag:$0x3], $0x80, v4, vm0, $0xb8;
	[tilespmem:$0x14300] =	vst v63  }
0xc3: {  	s15 =	simm.s32 $0x5B00  }
0xc4: {  	[hbm4b:s9+s3] =	stream.indirect_vreg.scatter [tilespmem:s15], [sflag:$0x3], $0x80, v4, vm0, $0xb8;
	[tilespmem:$0x14300] =	vst v63  }
0xc5: {  	s15 =	simm.s32 $0x6300  }
0xc6: {  	[hbm4b:s4+s3] =	stream.indirect_vreg.scatter [tilespmem:s15], [sflag:$0x3], $0x80, v3, vm0, $0xb8;
	[tilespmem:$0x14300] =	vst v63  }
0xc7: {  	s15 =	simm.s32 $0x6B00  }
0xc8: {  	[hbm4b:s7+s3] =	stream.indirect_vreg.scatter [tilespmem:s15], [sflag:$0x3], $0x80, v3, vm0, $0xb8;
	[tilespmem:$0x14300] =	vst v63  }
0xc9: {  	s15 =	simm.s32 $0x7300  }
0xca: {  	[hbm4b:s8+s3] =	stream.indirect_vreg.scatter [tilespmem:s15], [sflag:$0x3], $0x80, v3, vm0, $0xb8;
	[tilespmem:$0x14300] =	vst v63  }
0xcb: {  	s15 =	simm.s32 $0x7B00  }
0xcc: {  	[hbm4b:s9+s3] =	stream.indirect_vreg.scatter [tilespmem:s15], [sflag:$0x3], $0x80, v3, vm0, $0xb8;
	[tilespmem:$0x14300] =	vst v63  }
0xcd: {  	_ =	swait.ge [sflag:s2], $0x8000  }
0xce: {  	[sflag:s2] =	ssyncset.done $0x0  }
0xcf: {  	[sflag:s2] =	ssyncadd.s32 $0xFFFF8000  }
0xd0: {  	v3 =	vld [tilespmem:$0x180];
	_ =	sdelay $0x4  }
0xd1: {  	v62 =	vshll.u32 v3, $0x3  }
0xd2: {  	v3 =	vand.u32 $0x7, v3;
	v4 =	vand.u32 $0xFFFFFFC0, v62  }
0xd3: {  	v3 =	vor.u32 v3, v4  }
0xd4: {  	v4 =	vperm.xlane v3, v0;
	_ =	sdelay $0x1  }
0xd5: {  	v4 =	vadd.s32 v1, v4;
	_ =	sdelay $0x4  }
0xd6: {  	[hbm4b:s4+s3] =	stream.indirect_vreg.scatter [tilespmem:s18], [sflag:$0x4], $0x80, v4, vm0, $0xb8;
	[tilespmem:$0x14300] =	vst v63  }
0xd7: {  	v3 =	vperm.xlane v3, v2  }
0xd8: {  	[hbm4b:s7+s3] =	stream.indirect_vreg.scatter [tilespmem:s23], [sflag:$0x4], $0x80, v4, vm0, $0xb8;
	[tilespmem:$0x14300] =	vst v63  }
0xd9: {  	v3 =	vadd.s32 v1, v3  }
0xda: {  	[hbm4b:s8+s3] =	stream.indirect_vreg.scatter [tilespmem:s22], [sflag:$0x4], $0x80, v4, vm0, $0xb8;
	[tilespmem:$0x14300] =	vst v63  }
0xdb: {  	_ = 	snop  }
0xdc: {  	[hbm4b:s9+s3] =	stream.indirect_vreg.scatter [tilespmem:s30], [sflag:$0x4], $0x80, v4, vm0, $0xb8;
	[tilespmem:$0x14300] =	vst v63  }
0xdd: {  	_ = 	snop  }
0xde: {  	[hbm4b:s4+s3] =	stream.indirect_vreg.scatter [tilespmem:s5], [sflag:$0x4], $0x80, v3, vm0, $0xb8;
	[tilespmem:$0x14300] =	vst v63  }
0xdf: {  	_ = 	snop  }
0xe0: {  	[hbm4b:s7+s3] =	stream.indirect_vreg.scatter [tilespmem:s6], [sflag:$0x4], $0x80, v3, vm0, $0xb8;
	[tilespmem:$0x14300] =	vst v63  }
0xe1: {  	_ = 	snop  }
0xe2: {  	[hbm4b:s8+s3] =	stream.indirect_vreg.scatter [tilespmem:s14], [sflag:$0x4], $0x80, v3, vm0, $0xb8;
	[tilespmem:$0x14300] =	vst v63  }
0xe3: {  	_ = 	snop  }
0xe4: {  	[hbm4b:s9+s3] =	stream.indirect_vreg.scatter [tilespmem:s16], [sflag:$0x4], $0x80, v3, vm0, $0xb8;
	[tilespmem:$0x14300] =	vst v63  }
0xe5: {  	v3 =	vld [tilespmem:$0x190];
	_ =	sdelay $0x4  }
0xe6: {  	v63 =	vshll.u32 v3, $0x3  }
0xe7: {  	v3 =	vand.u32 $0x7, v3;
	v4 =	vand.u32 $0xFFFFFFC0, v63  }
0xe8: {  	v3 =	vor.u32 v3, v4  }
0xe9: {  	v4 =	vperm.xlane v3, v0;
	_ =	sdelay $0x1  }
0xea: {  	v4 =	vadd.s32 v1, v4;
	_ =	sdelay $0x4  }
0xeb: {  	[hbm4b:s4+s3] =	stream.indirect_vreg.scatter [tilespmem:s19], [sflag:$0x4], $0x80, v4, vm0, $0xb8;
	[tilespmem:$0x14300] =	vst v63  }
0xec: {  	v3 =	vperm.xlane v3, v2  }
0xed: {  	[hbm4b:s7+s3] =	stream.indirect_vreg.scatter [tilespmem:s20], [sflag:$0x4], $0x80, v4, vm0, $0xb8;
	[tilespmem:$0x14300] =	vst v63  }
0xee: {  	v3 =	vadd.s32 v1, v3  }
0xef: {  	[hbm4b:s8+s3] =	stream.indirect_vreg.scatter [tilespmem:s21], [sflag:$0x4], $0x80, v4, vm0, $0xb8;
	[tilespmem:$0x14300] =	vst v63  }
0xf0: {  	_ = 	snop  }
0xf1: {  	[hbm4b:s9+s3] =	stream.indirect_vreg.scatter [tilespmem:s24], [sflag:$0x4], $0x80, v4, vm0, $0xb8;
	[tilespmem:$0x14300] =	vst v63  }
0xf2: {  	_ = 	snop  }
0xf3: {  	[hbm4b:s4+s3] =	stream.indirect_vreg.scatter [tilespmem:s25], [sflag:$0x4], $0x80, v3, vm0, $0xb8;
	[tilespmem:$0x14300] =	vst v63  }
0xf4: {  	_ = 	snop  }
0xf5: {  	[hbm4b:s7+s3] =	stream.indirect_vreg.scatter [tilespmem:s26], [sflag:$0x4], $0x80, v3, vm0, $0xb8;
	[tilespmem:$0x14300] =	vst v63  }
0xf6: {  	_ = 	snop  }
0xf7: {  	[hbm4b:s8+s3] =	stream.indirect_vreg.scatter [tilespmem:s28], [sflag:$0x4], $0x80, v3, vm0, $0xb8;
	[tilespmem:$0x14300] =	vst v63  }
0xf8: {  	_ = 	snop  }
0xf9: {  	[hbm4b:s9+s3] =	stream.indirect_vreg.scatter [tilespmem:s29], [sflag:$0x4], $0x80, v3, vm0, $0xb8;
	[tilespmem:$0x14300] =	vst v63  }
0xfa: {  	_ =	swait.ge [sflag:s13], $0x8000  }
0xfb: {  	[sflag:s13] =	ssyncset.done $0x0  }
0xfc: {  	[sflag:s13] =	ssyncadd.s32 $0xFFFF8000  }
0xfd: {  	_ =	swait.ge [sflag:s0], $0x8000  }
0xfe: {  	[sflag:s0] =	ssyncset.done $0x0  }
0xff: {  	[sflag:s0] =	ssyncadd.s32 $0xFFFF8000  }
0x100: {  	_ =	swait.ge [sflag:s1], $0x2000  }
0x101: {  	[sflag:s1] =	ssyncset.done $0x0  }
0x102: {  	s12 =	simm.s32 $0x200;
	[sflag:s1] =	ssyncadd.s32 $0xFFFFE000  }
0x103: {  	s19 =	simm.s32 $0x10300;
	s0 =	simm.s32 $0x40;
	s15 =	rddreg [dreg:$0x2]  }
0x104: {  	[hbm4b:s15+s0] =	stream.indirect.scatter [tilespmem:s19], [sflag:$0x5], $0x80, s12, s0, $0xb8;
	[tilespmem:$0x14300] =	vst v63  }
0x105: {  	_ =	swait.ge [sflag:s1], $0x2000  }
0x106: {  	[sflag:s1] =	ssyncset.done $0x0  }
0x107: {  	s12 =	simm.s32 $0x280;
	s19 =	simm.s32 $0x12300;
	[sflag:s1] =	ssyncadd.s32 $0xFFFFE000  }
0x108: {  	[hbm4b:s15+s0] =	stream.indirect.scatter [tilespmem:s19], [sflag:$0x5], $0x80, s12, s0, $0xb8;
	[tilespmem:$0x14300] =	vst v63  }
0x109: {  	p0 =	sne.s32 s10, $0x1;
	_ =	swait.ge [sflag:s1], $0x2000  }
.Ltmp0:
0x10a: {  	[sflag:s1] =	ssyncset.done $0x0;
	(pc) =	sbr.rel @p0 .LBB2_1-.Ltmp0, $4  }
0x10b: {  	[sflag:s1] =	ssyncadd.s32 $0xFFFFE000  }
0x10c: {  	_ =	swait.ge [sflag:s1], $0x2000  }
0x10d: {  	[sflag:s1] =	ssyncset.done $0x0  }
0x10e: {  	s10 =	sadd.s32 $0xFFFFFFFF, s10;
	[sflag:s1] =	ssyncadd.s32 $0xFFFFE000  }
0x10f: {  	_ =	sfence.sel $0x180000  }
0x110: {  	[bflag:$0x0] =	sbarrier.arrive $0xFFFF  }
0x111: {  	_ =	strace $0x90000047  }
0x112: {  	s0 =	stileid.u32;
	[bflag:$0x2] =	sbarrier.arrive $0xFFFF  }
0x113: {  	p0 =	sne.s32 s0, $0x0;
	s0 =	rddreg [dreg:$0x3]  }
0x114: {  	s0 =	sadd.s32 @!p0 $0x100000, s0  }
0x115: {  	[sflag:s0] =	ssyncadd.tile.s32 @!p0 $0x1;
	_ =	shalt  }
.Lfunc_end2:
_tile_overlayer_lowered:
.L_overlay_start_2:
0x116: {  	(tag) =	ssettag $0x2  }
0x117: {  	s0 =	rddreg [dreg:$0x0];
	s2 =	stileid.u32  }
0x118: {  	s1 =	rddreg [dreg:$0x1];
	p0 =	sne.s32 s2, $0x0  }
0x119: {  	s3 =	rddreg [dreg:$0x2];
	[bflag:$0x3] =	sbarrier.arrive $0xFFFF;
	s2 =	simm.s32 @!p0 $0x1C06  }
0x11a: {  	[timem:s3], [sflag:s2] =	dma.local @!p0 [hbm:s0], s1  }
0x11b: {  	s0 =	simm.s32 @!p0 $0x6  }
0x11c: {  	_ =	swait.ge @!p0 [sflag:s0], s1  }
0x11d: {  	s1 =	ssub.s32 @!p0 $0x0, s1;
	[sflag:s0] =	ssyncset.done @!p0 $0x0  }
0x11e: {  	[sflag:s0] =	ssyncadd.s32 @!p0 s1  }
0x11f: {  	[bflag:$0x3] =	sbarrier.arrive $0xFFFF  }
0x120: {  	_ =	shalt  }

// kernel: kernel.9.cloned.1.call-start
scs
__scs_entry_jumppad:
0x0: {  	(pc) =	sbr.rel $0x88, $3  }
0x1: {  	(tag) =	ssettag $0x0;
	lr =	simm.s32 $0x1  }
0x2: {  	[smem:$0x3F98] =	sst lr;
	_ =	strace $0xD0000000  }
0x3: {  	_ = 	snop  }
0x4: {  	_ = 	snop  }
0x5: {  	_ = 	snop  }
0x6: {  	_ = 	snop  }
0x7: {  	_ = 	snop  }
__scs_overlays_trampoline_lowered:
0x8: {  	[smem:$0x3FA7] =	sst s0  }
0x9: {  	[smem:$0x3FA8] =	sst s1  }
0xa: {  	[smem:$0x3FA9] =	sst s2  }
0xb: {  	[smem:$0x3FAA] =	sst s3  }
0xc: {  	[smem:$0x3FAB] =	sst s4  }
0xd: {  	[smem:$0x3FAC] =	sst s5  }
0xe: {  	[smem:$0x3FAD] =	sst s6  }
0xf: {  	[smem:$0x3FAE] =	sst s7  }
0x10: {  	[smem:$0x3FAF] =	sst s8  }
0x11: {  	[smem:$0x3FB0] =	sst s9;
	s0 =	simm.s32 @!p0 $0x0  }
0x12: {  	s1 =	sld [smem:$0x3F96];
	s0 =	simm.s32 @p0 $0x1  }
0x13: {  	[smem:$0x3FB1] =	sst s0;
	s0 =	simm.s32 @!p1 $0x0  }
0x14: {  	s2 =	sld [smem:$0x3F95];
	s0 =	simm.s32 @p1 $0x1  }
0x15: {  	[smem:$0x3FB2] =	sst s0;
	s0 =	simm.s32 @!p2 $0x0  }
0x16: {  	s3 =	sld [smem:$0x3FDB];
	s0 =	simm.s32 @p2 $0x1  }
0x17: {  	s4 =	simm.s32 $0x1BF5;
	[smem:$0x3FB4] =	sst s0  }
0x18: {  	s0 =	sld [smem:$0x3F97];
	_ =	swait.ge [sflag:s4], $0x0  }
0x19: {  	s7 =	sld [smem:$0x3F98]  }
0x1a: {  	s8 =	sadd.s32 $0xFFFFE003, lr  }
0x1b: {  	s9 =	sadd.s32 $0xFFFFFEF7, lr;
	s5 =	simm.s32 $0xFFFFFFFF;
	p2 =	slt.u32 s8, $0xFFFFF086  }
0x1c: {  	p1 =	slt.u32 s9, $0xF7A;
	s5 =	simm.s32 @!p2 $0x0  }
0x1d: {  	s5 =	simm.s32 @p1 $0x1;
	p0 =	seq.s32 s7, s2  }
0x1e: {  	s7 =	smul.u32 @!p0 $0xF7A, s2;
	p2 =	seq.s32 @!p0 s5, $0x0  }
0x1f: {  	s9 =	smul.u32 $0xF7A, s1;
	s8 =	simm.s32 @!p0 $0x1BF5;
	p2 =	por !p2, p0  }
0x20: {  	[sflag:s8] =	ssyncset.s32 @!p0 $0xFFFFF086;
	s6 =	sadd.s32 @!p0 s3, s7;
	s7 =	simm.s32 @!p0 $0x108  }
0x21: {  	s3 =	sadd.s32 s3, s9;
	s6 =	sadd.s32 @!p0 $0x88, s6;
	s7 =	simm.s32 @p2 $0x1082  }
0x22: {  	[simem:s7], [sflag:s8] =	dma.local @!p0 [hbm:s6], $0xF7A  }
0x23: {  	s9 =	sor.u32 $0xD0000000, s2;
	s6 =	simm.s32 $0x108;
	_ =	swait.ge @!p0 [sflag:s8], $0x0  }
0x24: {  	s3 =	sadd.s32 $0x88, s3;
	s6 =	simm.s32 @!p1 $0x1082;
	[sflag:s4] =	ssyncset.s32 $0xFFFFF086  }
0x25: {  	[simem:s6], [sflag:s4] =	dma.local [hbm:s3], $0xF7A  }
0x26: {  	[smem:$0x3F98] =	sst s1;
	(tag) =	ssettag s2;
	_ =	strace s9  }
0x27: {  	s1 =	sld [smem:$0x3FA8]  }
0x28: {  	s2 =	sld [smem:$0x3FA9]  }
0x29: {  	s4 =	sld [smem:$0x3FAB]  }
0x2a: {  	p0 =	seq.s32 s5, $0x0;
	s5 =	sld [smem:$0x3FAC]  }
0x2b: {  	s6 =	sld [smem:$0x3FAD]  }
0x2c: {  	s7 =	sld [smem:$0x3FAE]  }
0x2d: {  	s3 =	simm.s32 $0x108;
	s8 =	sld [smem:$0x3FAF]  }
0x2e: {  	s3 =	simm.s32 @!p0 $0x1082;
	s9 =	sld [smem:$0x3FB0]  }
0x2f: {  	lr =	sadd.s32 s0, s3;
	s0 =	sld [smem:$0x3FA7]  }
0x30: {  	s3 =	sld [smem:$0x3FAA]  }
0x31: {  	[smem:$0x3FB3] =	sst s10  }
0x32: {  	s10 =	sld [smem:$0x3FB1];
	_ =	sdelay $0x3  }
0x33: {  	p0 =	seq.s32 s10, $0x1;
	s10 =	sld [smem:$0x3FB3];
	_ =	sdelay $0x3  }
0x34: {  	[smem:$0x3FB3] =	sst s10  }
0x35: {  	s10 =	sld [smem:$0x3FB2];
	_ =	sdelay $0x3  }
0x36: {  	p1 =	seq.s32 s10, $0x1;
	s10 =	sld [smem:$0x3FB3];
	_ =	sdelay $0x3  }
0x37: {  	[smem:$0x3FB3] =	sst s10  }
0x38: {  	s10 =	sld [smem:$0x3FB4]  }
0x39: {  	_ = 	snop;
	(pc) =	sbr.ind lr, $3  }
0x3a: {  	_ = 	snop  }
0x3b: {  	_ = 	snop  }
0x3c: {  	p2 =	seq.s32 s10, $0x1;
	s10 =	sld [smem:$0x3FB3]  }
0x3d: {  	_ =	shalt  }
0x3e: {  	_ =	shalt  }
0x3f: {  	_ =	shalt  }
0x40: {  	_ =	shalt  }
0x41: {  	_ =	shalt  }
0x42: {  	_ =	shalt  }
0x43: {  	_ =	shalt  }
0x44: {  	_ =	shalt  }
0x45: {  	_ =	shalt  }
0x46: {  	_ =	shalt  }
0x47: {  	_ =	shalt  }
0x48: {  	_ =	shalt  }
0x49: {  	_ =	shalt  }
0x4a: {  	_ =	shalt  }
0x4b: {  	_ =	shalt  }
0x4c: {  	_ =	shalt  }
0x4d: {  	_ =	shalt  }
0x4e: {  	_ =	shalt  }
0x4f: {  	_ =	shalt  }
0x50: {  	_ =	shalt  }
0x51: {  	_ =	shalt  }
0x52: {  	_ =	shalt  }
0x53: {  	_ =	shalt  }
0x54: {  	_ =	shalt  }
0x55: {  	_ =	shalt  }
0x56: {  	_ =	shalt  }
0x57: {  	_ =	shalt  }
0x58: {  	_ =	shalt  }
0x59: {  	_ =	shalt  }
0x5a: {  	_ =	shalt  }
0x5b: {  	_ =	shalt  }
0x5c: {  	_ =	shalt  }
0x5d: {  	_ =	shalt  }
0x5e: {  	_ =	shalt  }
0x5f: {  	_ =	shalt  }
0x60: {  	_ =	shalt  }
0x61: {  	_ =	shalt  }
0x62: {  	_ =	shalt  }
0x63: {  	_ =	shalt  }
0x64: {  	_ =	shalt  }
0x65: {  	_ =	shalt  }
0x66: {  	_ =	shalt  }
0x67: {  	_ =	shalt  }
0x68: {  	_ =	shalt  }
0x69: {  	_ =	shalt  }
0x6a: {  	_ =	shalt  }
0x6b: {  	_ =	shalt  }
0x6c: {  	_ =	shalt  }
0x6d: {  	_ =	shalt  }
0x6e: {  	_ =	shalt  }
0x6f: {  	_ =	shalt  }
0x70: {  	_ =	shalt  }
0x71: {  	_ =	shalt  }
0x72: {  	_ =	shalt  }
0x73: {  	_ =	shalt  }
0x74: {  	_ =	shalt  }
0x75: {  	_ =	shalt  }
0x76: {  	_ =	shalt  }
0x77: {  	_ =	shalt  }
0x78: {  	_ =	shalt  }
0x79: {  	_ =	shalt  }
0x7a: {  	_ =	shalt  }
0x7b: {  	_ =	shalt  }
0x7c: {  	_ =	shalt  }
0x7d: {  	_ =	shalt  }
0x7e: {  	_ =	shalt  }
0x7f: {  	_ =	shalt  }
0x80: {  	_ =	shalt  }
0x81: {  	_ =	shalt  }
0x82: {  	_ =	shalt  }
0x83: {  	_ =	shalt  }
0x84: {  	_ =	shalt  }
0x85: {  	_ =	shalt  }
0x86: {  	_ =	shalt  }
0x87: {  	_ =	shalt  }
.Lfunc_end0:
.L_simem_size_0:
called_computation.1_lowered:
.L_overlay_start_0:
0x88: {  	s2 =	sld [smem:$0x3FD9]  }
0x89: {  	s3 =	sld [smem:$0x3FFE];
	_ =	sdelay $0x1  }
0x8a: {  	s1 =	srdreg.scid  }
0x8b: {  	s0 =	sand.u32 $0x1, s1  }
0x8c: {  	s14 =	sshll.u32 s0, $0xA;
	s2 =	sadd.s32 s3, s2  }
0x8d: {  	s2 =	sadd.s32 s2, s14  }
0x8e: {  	[smem:$0x3FBF] =	sst s2  }
0x8f: {  	_ = 	snop  }
0x90: {  	s2 =	sld [smem:$0x3FD0];
	_ =	sdelay $0x2  }
0x91: {  	s15 =	simm.s32 $0xA;
	s4 =	simm.s32 $0x10  }
0x92: {  	[smem:s4], [sflag:s15] =	dma.local [hbm:s2], $0x1  }
0x93: {  	_ =	swait.eq [sflag:s15], $0x1  }
0x94: {  	[sflag:s15] =	ssyncset.done $0x0  }
0x95: {  	[sflag:s15] =	ssyncadd.s32 $0xFFFFFFFF  }
0x96: {  	s16 =	sld [smem:$0x10];
	(tm) =	ssettm $0x1  }
0x97: {  	s17 =	sld [smem:$0x3FFB];
	_ =	sdelay $0x3  }
0x98: {  	_ =	strace s17  }
0x99: {  	s3 =	sld [smem:$0x3FFC];
	_ =	sdelay $0x3  }
0x9a: {  	_ =	strace s3  }
0x9b: {  	s3 =	sld [smem:$0x3FFD];
	_ =	sdelay $0x3  }
0x9c: {  	_ =	strace s3  }
0x9d: {  	_ =	strace $0x8FFFFFFF  }
0x9e: {  	s18 =	sld [smem:$0x3FDB];
	_ =	sdelay $0x1  }
0x9f: {  	s19 =	simm.s32 $_scs_section_size  }
0xa0: {  	s5 =	simm.s32 $_size__tile_overlayer_lowered;
	s6 =	simm.s32 $_tile_overlayer_lowered  }
0xa1: {  	s22 =	simm.s32 $0x1BFF;
	s21 =	sshll.u32 s6, $0x1;
	s3 =	sadd.s32 s19, s18  }
0xa2: {  	s7 =	simm.s32 $0x0;
	s20 =	sshll.u32 s5, $0x1;
	s5 =	sadd.s32 s21, s3  }
0xa3: {  	[timem:s7], [sflag:s22] =	dma.local [hbm:s5], s20  }
0xa4: {  	_ =	swait.ge [sflag:s22], s20  }
0xa5: {  	s4 =	ssub.s32 $0x0, s20;
	[sflag:s22] =	ssyncset.done $0x0  }
0xa6: {  	[sflag:s22] =	ssyncadd.s32 s4;
	_ =	sdelay $0x1  }
0xa7: {  	s23 =	simm.s32 $0x1B8B  }
0xa8: {  	_ =	swait.ge [sflag:s23], $0x1  }
0xa9: {  	[sflag:s23] =	ssyncset.done $0x0  }
0xaa: {  	s25 =	simm.s32 $0x1B8E;
	s24 =	sld [smem:$0x3FFE];
	[sflag:s23] =	ssyncadd.s32 $0xFFFFFFFF  }
0xab: {  	s26 =	simm.s32 $execute0_lowered;
	[smem:$0x3FD2] =	sst s25  }
0xac: {  	s5 =	sshll.u32 s26, $0x1;
	_ =	strace $0x80000049;
	[dreg:$0x1] =	wrdreg $0xFFFFFFFF  }
0xad: {  	s28 =	simm.s32 $_size_execute0_lowered;
	s3 =	sadd.s32 s3, s5;
	[dreg:$0x0] =	wrdreg $0x0  }
0xae: {  	s5 =	sshll.u32 s28, $0x1;
	[dreg:$0x2] =	wrdreg s3  }
0xaf: {  	[dreg:$0x3] =	wrdreg s5  }
0xb0: {  	[dreg:$0x4] =	wrdreg $0xC0  }
0xb1: {  	_ =	task [dreg:s7], $0x5FFFF  }
0xb2: {  	[dreg:$0x1] =	wrdreg $0xFFFFFFFF  }
0xb3: {  	[dreg:$0x0] =	wrdreg $0x60  }
0xb4: {  	[dreg:$0x2] =	wrdreg s24  }
0xb5: {  	[dreg:$0x3] =	wrdreg s16  }
0xb6: {  	[dreg:$0x4] =	wrdreg $0x9  }
0xb7: {  	_ =	task.clear_ibuf [dreg:s7], $0x5FFFF;
	_ =	strace $0x90000049  }
0xb8: {  	s29 =	simm.s32 $0x9;
	_ =	strace $0x8000004B  }
0xb9: {  	_ =	swait.ge [sflag:s29], $0x1  }
0xba: {  	[sflag:s29] =	ssyncadd.s32 $0xFFFFFFFF  }
0xbb: {  	_ =	strace $0x9000004B  }
0xbc: {  	_ =	sfence  }
0xbd: {  	s30 =	sld [smem:$0x0];
	_ =	sdelay $0x2  }
0xbe: {  	s31 =	sshll.u32 s1, $0xD;
	s1 =	sshrl.u32 s1, $0x2  }
0xbf: {  	s3 =	sand.u32 $0x4000, s31;
	s1 =	sadd.s32 s1, s30  }
0xc0: {  	s0 =	sor.u32 s3, s0;
	s1 =	sshll.u32 s1, $0x11  }
0xc1: {  	s0 =	sor.u32 s1, s0  }
0xc2: {  	s0 =	sadd.s32 $0x8F2B, s0  }
0xc3: {  	[sflag:s0] =	ssyncadd.remote.s32 $0x1  }
0xc4: {  	_ =	sfence.sel $0xFFFF  }
0xc5: {  	[dreg:$0x0] =	wrdreg $0xFFFFFFFF;
	(pc) =	sbr.abs _section_cstart, $3  }
0xc6: {  	[dreg:$0x1] =	wrdreg $0xFFFFFFFF  }
0xc7: {  	_ =	task.clear_ibuf [dreg:s7], $0x2FFFF;
	_ =	strace $0x9FFFFFFF  }
0xc8: {  	(tm) =	ssettm $0x7FFFFFFF  }
0xc9: {  	_ =	shalt  }
tec
execute0_lowered:
.L_overlay_start_1:
0x0: {  	(tag) =	ssettag $0x1  }
0x1: {  	s0 =	rddreg [dreg:$0x0]  }
0x2: {  	s1 =	rddreg [dreg:$0x1];
	s3 =	srdreg.scid  }
0x3: {  	s2 =	simm.s32 $0x0;
	s5 =	stileid.u32;
	s24 =	simm.s32 $0x80  }
0x4: {  	s25 =	simm.s32 $0x100;
	s26 =	simm.s32 $0x180;
	s28 =	simm.s32 $0x2200  }
0x5: {  	s29 =	simm.s32 $0x2A00;
	s30 =	simm.s32 $0x3200;
	s31 =	simm.s32 $0x3A00  }
0x6: {  	s13 =	simm.s32 $0x6A00;
	s4 =	sand.u32 $0x1, s3;
	[smem:$0x7FF] =	sst s2  }
0x7: {  	s5 =	sshll.u32 s5, $0x8;
	_ =	strace $0x8000004A;
	[dreg:$0xb] =	wrdreg s24  }
0x8: {  	s3 =	sadd.s32 $0xD1A00, s0;
	s14 =	sadd.s32 $0x11800, s0;
	[dreg:$0xc] =	wrdreg s25  }
0x9: {  	s6 =	sshll.u32 s4, $0x7;
	s4 =	ssub.s32 $0x2, s4;
	[dreg:$0xd] =	wrdreg s26  }
0xa: {  	s25 =	simm.s32 $0x200;
	s24 =	simm.s32 $0x1200;
	s5 =	sor.u32 s6, s5  }
0xb: {  	s26 =	simm.s32 $0x1A00;
	s8 =	sshrl.u32 s4, $0x1;
	s7 =	sshrl.u32 s5, $0x3  }
0xc: {  	s9 =	sor.u32 $0x20, s5;
	s10 =	sor.u32 $0x40, s5;
	s12 =	sor.u32 $0x60, s5  }
0xd: {  	s5 =	sshll.u32 s5, $0x7;
	s23 =	ssub.s32 s4, s8;
	s4 =	sadd.s32 $0xD1B00, s0  }
0xe: {  	s8 =	simm.s32 $0x5;
	s7 =	sadd.s32 s14, s7;
	s15 =	sshrl.u32 s9, $0x3  }
0xf: {  	s11 =	sshrl.u32 s10, $0x3;
	s17 =	sshrl.u32 s12, $0x3;
	s5 =	sadd.s32 s1, s5  }
0x10: {  	s18 =	sshll.u32 s9, $0x7;
	s20 =	sshll.u32 s10, $0x7;
	[dreg:$0x3] =	wrdreg s7  }
0x11: {  	s22 =	sshll.u32 s12, $0x7;
	s7 =	sadd.s32 s14, s15;
	[dreg:$0x7] =	wrdreg s5  }
0x12: {  	s12 =	simm.s32 $0x6200;
	s16 =	sadd.s32 s14, s11;
	[dreg:$0x4] =	wrdreg s7  }
0x13: {  	s6 =	sadd.s32 s14, s17;
	s19 =	sadd.s32 s1, s18;
	[dreg:$0x5] =	wrdreg s16  }
0x14: {  	s21 =	sadd.s32 s1, s20;
	s1 =	sadd.s32 s1, s22;
	[dreg:$0x6] =	wrdreg s6  }
0x15: {  	s5 =	sadd.s32 $0xD1C00, s0;
	s14 =	simm.s32 $0x7200;
	[dreg:$0x8] =	wrdreg s19  }
0x16: {  	s15 =	simm.s32 $0x7A00;
	s18 =	simm.s32 $0x8200;
	[dreg:$0x9] =	wrdreg s21  }
0x17: {  	v2 =	vlaneseq.u32;
	s17 =	simm.s32 $0x9200;
	s20 =	simm.s32 $0xAA00;
	[dreg:$0xa] =	wrdreg s1  }
0x18: {  	vm0 =	vmmov $0xffff;
	v1 =	vshrl.u32 v2, $0x3;
	s6 =	sadd.s32 $0xD1D00, s0;
	s7 =	smax.u32 s23, $0x1;
	s16 =	simm.s32 $0x4A00  }
0x19: {  	v0 =	vand.u32 $0x7, v2;
	v2 =	vor.u32 $0x8, v2;
	v1 =	vmul.u32 $0x8, v1;
	s19 =	simm.s32 $0xA200;
	s21 =	simm.s32 $0xB200;
	s1 =	simm.s32 $0x3  }
.LBB2_1:
0x1a: {  	s22 =	rddreg [dreg:$0x3]  }
0x1b: {  	[tilespmem:s2], [sflag:$0x5] =	stream.linear.gather [hbm4b:s22+s2], $0x20, $0x38;
	[tilespmem:$0x10200] =	vst v63  }
0x1c: {  	_ =	swait.ge [sflag:s8], $0x20  }
0x1d: {  	s11 =	rddreg [dreg:$0x4];
	[sflag:s8] =	ssyncset.done $0x0  }
0x1e: {  	s23 =	rddreg [dreg:$0xb];
	[sflag:s8] =	ssyncadd.s32 $0xFFFFFFE0  }
0x1f: {  	[tilespmem:s23], [sflag:$0x5] =	stream.linear.gather [hbm4b:s11+s2], $0x20, $0x38;
	[tilespmem:$0x10200] =	vst v63  }
0x20: {  	_ =	swait.ge [sflag:s8], $0x20  }
0x21: {  	s0 =	rddreg [dreg:$0x5];
	[sflag:s8] =	ssyncset.done $0x0  }
0x22: {  	s9 =	rddreg [dreg:$0xc];
	[sflag:s8] =	ssyncadd.s32 $0xFFFFFFE0  }
0x23: {  	[tilespmem:s9], [sflag:$0x5] =	stream.linear.gather [hbm4b:s0+s2], $0x20, $0x38;
	[tilespmem:$0x10200] =	vst v63  }
0x24: {  	_ =	swait.ge [sflag:s8], $0x20  }
0x25: {  	s10 =	rddreg [dreg:$0x6];
	[sflag:s8] =	ssyncset.done $0x0  }
0x26: {  	s11 =	rddreg [dreg:$0xd];
	[sflag:s8] =	ssyncadd.s32 $0xFFFFFFE0  }
0x27: {  	[tilespmem:s11], [sflag:$0x5] =	stream.linear.gather [hbm4b:s10+s2], $0x20, $0x38;
	[tilespmem:$0x10200] =	vst v63  }
0x28: {  	_ =	swait.ge [sflag:s8], $0x20  }
0x29: {  	[sflag:s8] =	ssyncset.done $0x0  }
0x2a: {  	[sflag:s8] =	ssyncadd.s32 $0xFFFFFFE0  }
0x2b: {  	v3 =	vld [tilespmem:$0x0];
	_ =	sdelay $0x4  }
0x2c: {  	v4 =	vshll.u32 v3, $0x3  }
0x2d: {  	v3 =	vand.u32 $0x7, v3;
	v4 =	vand.u32 $0xFFFFFFC0, v4  }
0x2e: {  	v3 =	vor.u32 v3, v4  }
0x2f: {  	v4 =	vperm.xlane v3, v0;
	_ =	sdelay $0x1  }
0x30: {  	v4 =	vadd.s32 v1, v4;
	_ =	sdelay $0x4  }
0x31: {  	[tilespmem:s25], [sflag:$0x1] =	stream.indirect_vreg.gather [hbm4b:s3+s2], $0x80, v4, vm0, $0xb8;
	[tilespmem:$0x10200] =	vst v63  }
0x32: {  	s23 =	simm.s32 $0xA00;
	v3 =	vperm.xlane v3, v2  }
0x33: {  	[tilespmem:s23], [sflag:$0x1] =	stream.indirect_vreg.gather [hbm4b:s4+s2], $0x80, v4, vm0, $0xb8;
	[tilespmem:$0x10200] =	vst v63  }
0x34: {  	v3 =	vadd.s32 v1, v3  }
0x35: {  	[tilespmem:s24], [sflag:$0x1] =	stream.indirect_vreg.gather [hbm4b:s5+s2], $0x80, v4, vm0, $0xb8;
	[tilespmem:$0x10200] =	vst v63  }
0x36: {  	_ = 	snop  }
0x37: {  	[tilespmem:s26], [sflag:$0x1] =	stream.indirect_vreg.gather [hbm4b:s6+s2], $0x80, v4, vm0, $0xb8;
	[tilespmem:$0x10200] =	vst v63  }
0x38: {  	_ = 	snop  }
0x39: {  	[tilespmem:s28], [sflag:$0x1] =	stream.indirect_vreg.gather [hbm4b:s3+s2], $0x80, v3, vm0, $0xb8;
	[tilespmem:$0x10200] =	vst v63  }
0x3a: {  	_ = 	snop  }
0x3b: {  	[tilespmem:s29], [sflag:$0x1] =	stream.indirect_vreg.gather [hbm4b:s4+s2], $0x80, v3, vm0, $0xb8;
	[tilespmem:$0x10200] =	vst v63  }
0x3c: {  	_ = 	snop  }
0x3d: {  	[tilespmem:s30], [sflag:$0x1] =	stream.indirect_vreg.gather [hbm4b:s5+s2], $0x80, v3, vm0, $0xb8;
	[tilespmem:$0x10200] =	vst v63  }
0x3e: {  	_ = 	snop  }
0x3f: {  	[tilespmem:s31], [sflag:$0x1] =	stream.indirect_vreg.gather [hbm4b:s6+s2], $0x80, v3, vm0, $0xb8;
	[tilespmem:$0x10200] =	vst v63  }
0x40: {  	v3 =	vld [tilespmem:$0x10];
	_ =	sdelay $0x4  }
0x41: {  	v57 =	vshll.u32 v3, $0x3  }
0x42: {  	v3 =	vand.u32 $0x7, v3;
	v4 =	vand.u32 $0xFFFFFFC0, v57  }
0x43: {  	v3 =	vor.u32 v3, v4  }
0x44: {  	v4 =	vperm.xlane v3, v0;
	_ =	sdelay $0x1  }
0x45: {  	v4 =	vadd.s32 v1, v4;
	_ =	sdelay $0x3  }
0x46: {  	s9 =	simm.s32 $0x4200  }
0x47: {  	[tilespmem:s9], [sflag:$0x1] =	stream.indirect_vreg.gather [hbm4b:s3+s2], $0x80, v4, vm0, $0xb8;
	[tilespmem:$0x10200] =	vst v63  }
0x48: {  	v3 =	vperm.xlane v3, v2  }
0x49: {  	[tilespmem:s16], [sflag:$0x1] =	stream.indirect_vreg.gather [hbm4b:s4+s2], $0x80, v4, vm0, $0xb8;
	[tilespmem:$0x10200] =	vst v63  }
0x4a: {  	s10 =	simm.s32 $0x5200;
	v3 =	vadd.s32 v1, v3  }
0x4b: {  	[tilespmem:s10], [sflag:$0x1] =	stream.indirect_vreg.gather [hbm4b:s5+s2], $0x80, v4, vm0, $0xb8;
	[tilespmem:$0x10200] =	vst v63  }
0x4c: {  	s11 =	simm.s32 $0x5A00  }
0x4d: {  	[tilespmem:s11], [sflag:$0x1] =	stream.indirect_vreg.gather [hbm4b:s6+s2], $0x80, v4, vm0, $0xb8;
	[tilespmem:$0x10200] =	vst v63  }
0x4e: {  	_ = 	snop  }
0x4f: {  	[tilespmem:s12], [sflag:$0x1] =	stream.indirect_vreg.gather [hbm4b:s3+s2], $0x80, v3, vm0, $0xb8;
	[tilespmem:$0x10200] =	vst v63  }
0x50: {  	_ = 	snop  }
0x51: {  	[tilespmem:s13], [sflag:$0x1] =	stream.indirect_vreg.gather [hbm4b:s4+s2], $0x80, v3, vm0, $0xb8;
	[tilespmem:$0x10200] =	vst v63  }
0x52: {  	_ = 	snop  }
0x53: {  	[tilespmem:s14], [sflag:$0x1] =	stream.indirect_vreg.gather [hbm4b:s5+s2], $0x80, v3, vm0, $0xb8;
	[tilespmem:$0x10200] =	vst v63  }
0x54: {  	_ = 	snop  }
0x55: {  	[tilespmem:s15], [sflag:$0x1] =	stream.indirect_vreg.gather [hbm4b:s6+s2], $0x80, v3, vm0, $0xb8;
	[tilespmem:$0x10200] =	vst v63  }
0x56: {  	v3 =	vld [tilespmem:$0x80];
	_ =	sdelay $0x4  }
0x57: {  	v58 =	vshll.u32 v3, $0x3  }
0x58: {  	v3 =	vand.u32 $0x7, v3;
	v4 =	vand.u32 $0xFFFFFFC0, v58  }
0x59: {  	v3 =	vor.u32 v3, v4  }
0x5a: {  	v4 =	vperm.xlane v3, v0;
	_ =	sdelay $0x1  }
0x5b: {  	v4 =	vadd.s32 v1, v4;
	_ =	sdelay $0x4  }
0x5c: {  	[tilespmem:s18], [sflag:$0x2] =	stream.indirect_vreg.gather [hbm4b:s3+s2], $0x80, v4, vm0, $0xb8;
	[tilespmem:$0x10200] =	vst v63  }
0x5d: {  	s0 =	simm.s32 $0x8A00;
	v3 =	vperm.xlane v3, v2  }
0x5e: {  	[tilespmem:s0], [sflag:$0x2] =	stream.indirect_vreg.gather [hbm4b:s4+s2], $0x80, v4, vm0, $0xb8;
	[tilespmem:$0x10200] =	vst v63  }
0x5f: {  	v3 =	vadd.s32 v1, v3  }
0x60: {  	[tilespmem:s17], [sflag:$0x2] =	stream.indirect_vreg.gather [hbm4b:s5+s2], $0x80, v4, vm0, $0xb8;
	[tilespmem:$0x10200] =	vst v63  }
0x61: {  	s22 =	simm.s32 $0x9A00  }
0x62: {  	[tilespmem:s22], [sflag:$0x2] =	stream.indirect_vreg.gather [hbm4b:s6+s2], $0x80, v4, vm0, $0xb8;
	[tilespmem:$0x10200] =	vst v63  }
0x63: {  	_ = 	snop  }
0x64: {  	[tilespmem:s19], [sflag:$0x2] =	stream.indirect_vreg.gather [hbm4b:s3+s2], $0x80, v3, vm0, $0xb8;
	[tilespmem:$0x10200] =	vst v63  }
0x65: {  	_ = 	snop  }
0x66: {  	[tilespmem:s20], [sflag:$0x2] =	stream.indirect_vreg.gather [hbm4b:s4+s2], $0x80, v3, vm0, $0xb8;
	[tilespmem:$0x10200] =	vst v63  }
0x67: {  	_ = 	snop  }
0x68: {  	[tilespmem:s21], [sflag:$0x2] =	stream.indirect_vreg.gather [hbm4b:s5+s2], $0x80, v3, vm0, $0xb8;
	[tilespmem:$0x10200] =	vst v63  }
0x69: {  	s22 =	simm.s32 $0xBA00  }
0x6a: {  	[tilespmem:s22], [sflag:$0x2] =	stream.indirect_vreg.gather [hbm4b:s6+s2], $0x80, v3, vm0, $0xb8;
	[tilespmem:$0x10200] =	vst v63  }
0x6b: {  	v3 =	vld [tilespmem:$0x90];
	_ =	sdelay $0x4  }
0x6c: {  	v59 =	vshll.u32 v3, $0x3  }
0x6d: {  	v3 =	vand.u32 $0x7, v3;
	v4 =	vand.u32 $0xFFFFFFC0, v59  }
0x6e: {  	v3 =	vor.u32 v3, v4  }
0x6f: {  	v4 =	vperm.xlane v3, v0;
	_ =	sdelay $0x1  }
0x70: {  	v4 =	vadd.s32 v1, v4;
	_ =	sdelay $0x3  }
0x71: {  	s22 =	simm.s32 $0xC200  }
0x72: {  	[tilespmem:s22], [sflag:$0x2] =	stream.indirect_vreg.gather [hbm4b:s3+s2], $0x80, v4, vm0, $0xb8;
	[tilespmem:$0x10200] =	vst v63  }
0x73: {  	v3 =	vperm.xlane v3, v2;
	s22 =	simm.s32 $0xCA00  }
0x74: {  	[tilespmem:s22], [sflag:$0x2] =	stream.indirect_vreg.gather [hbm4b:s4+s2], $0x80, v4, vm0, $0xb8;
	[tilespmem:$0x10200] =	vst v63  }
0x75: {  	v3 =	vadd.s32 v1, v3;
	s22 =	simm.s32 $0xD200  }
0x76: {  	[tilespmem:s22], [sflag:$0x2] =	stream.indirect_vreg.gather [hbm4b:s5+s2], $0x80, v4, vm0, $0xb8;
	[tilespmem:$0x10200] =	vst v63  }
0x77: {  	s22 =	simm.s32 $0xDA00  }
0x78: {  	[tilespmem:s22], [sflag:$0x2] =	stream.indirect_vreg.gather [hbm4b:s6+s2], $0x80, v4, vm0, $0xb8;
	[tilespmem:$0x10200] =	vst v63  }
0x79: {  	s22 =	simm.s32 $0xE200  }
0x7a: {  	[tilespmem:s22], [sflag:$0x2] =	stream.indirect_vreg.gather [hbm4b:s3+s2], $0x80, v3, vm0, $0xb8;
	[tilespmem:$0x10200] =	vst v63  }
0x7b: {  	s22 =	simm.s32 $0xEA00  }
0x7c: {  	[tilespmem:s22], [sflag:$0x2] =	stream.indirect_vreg.gather [hbm4b:s4+s2], $0x80, v3, vm0, $0xb8;
	[tilespmem:$0x10200] =	vst v63  }
0x7d: {  	s22 =	simm.s32 $0xF200  }
0x7e: {  	[tilespmem:s22], [sflag:$0x2] =	stream.indirect_vreg.gather [hbm4b:s5+s2], $0x80, v3, vm0, $0xb8;
	[tilespmem:$0x10200] =	vst v63  }
0x7f: {  	s0 =	simm.s32 $0x1;
	s22 =	simm.s32 $0xFA00  }
0x80: {  	[tilespmem:s22], [sflag:$0x2] =	stream.indirect_vreg.gather [hbm4b:s6+s2], $0x80, v3, vm0, $0xb8;
	[tilespmem:$0x10200] =	vst v63  }
0x81: {  	_ =	swait.ge [sflag:s0], $0x8000  }
0x82: {  	[sflag:s0] =	ssyncset.done $0x0  }
0x83: {  	s22 =	rddreg [dreg:$0x7];
	[sflag:s0] =	ssyncadd.s32 $0xFFFF8000  }
0x84: {  	[hbm4b:s22+s2] =	stream.linear.scatter [tilespmem:s25], [sflag:$0x3], $0x8000, $0x38;
	[tilespmem:$0x10200] =	vst v63  }
0x85: {  	_ =	swait.ge [sflag:s1], $0x8000  }
0x86: {  	[sflag:s1] =	ssyncset.done $0x0  }
0x87: {  	[sflag:s1] =	ssyncadd.s32 $0xFFFF8000  }
0x88: {  	v3 =	vld [tilespmem:$0x100];
	_ =	sdelay $0x4  }
0x89: {  	v60 =	vshll.u32 v3, $0x3  }
0x8a: {  	v3 =	vand.u32 $0x7, v3;
	v4 =	vand.u32 $0xFFFFFFC0, v60  }
0x8b: {  	v3 =	vor.u32 v3, v4  }
0x8c: {  	v4 =	vperm.xlane v3, v0;
	_ =	sdelay $0x1  }
0x8d: {  	v4 =	vadd.s32 v1, v4;
	_ =	sdelay $0x4  }
0x8e: {  	[tilespmem:s25], [sflag:$0x1] =	stream.indirect_vreg.gather [hbm4b:s3+s2], $0x80, v4, vm0, $0xb8;
	[tilespmem:$0x10200] =	vst v63  }
0x8f: {  	v3 =	vperm.xlane v3, v2  }
0x90: {  	[tilespmem:s23], [sflag:$0x1] =	stream.indirect_vreg.gather [hbm4b:s4+s2], $0x80, v4, vm0, $0xb8;
	[tilespmem:$0x10200] =	vst v63  }
0x91: {  	v3 =	vadd.s32 v1, v3  }
0x92: {  	[tilespmem:s24], [sflag:$0x1] =	stream.indirect_vreg.gather [hbm4b:s5+s2], $0x80, v4, vm0, $0xb8;
	[tilespmem:$0x10200] =	vst v63  }
0x93: {  	_ = 	snop  }
0x94: {  	[tilespmem:s26], [sflag:$0x1] =	stream.indirect_vreg.gather [hbm4b:s6+s2], $0x80, v4, vm0, $0xb8;
	[tilespmem:$0x10200] =	vst v63  }
0x95: {  	_ = 	snop  }
0x96: {  	[tilespmem:s28], [sflag:$0x1] =	stream.indirect_vreg.gather [hbm4b:s3+s2], $0x80, v3, vm0, $0xb8;
	[tilespmem:$0x10200] =	vst v63  }
0x97: {  	_ = 	snop  }
0x98: {  	[tilespmem:s29], [sflag:$0x1] =	stream.indirect_vreg.gather [hbm4b:s4+s2], $0x80, v3, vm0, $0xb8;
	[tilespmem:$0x10200] =	vst v63  }
0x99: {  	_ = 	snop  }
0x9a: {  	[tilespmem:s30], [sflag:$0x1] =	stream.indirect_vreg.gather [hbm4b:s5+s2], $0x80, v3, vm0, $0xb8;
	[tilespmem:$0x10200] =	vst v63  }
0x9b: {  	_ = 	snop  }
0x9c: {  	[tilespmem:s31], [sflag:$0x1] =	stream.indirect_vreg.gather [hbm4b:s6+s2], $0x80, v3, vm0, $0xb8;
	[tilespmem:$0x10200] =	vst v63  }
0x9d: {  	v3 =	vld [tilespmem:$0x110];
	_ =	sdelay $0x4  }
0x9e: {  	v61 =	vshll.u32 v3, $0x3  }
0x9f: {  	v3 =	vand.u32 $0x7, v3;
	v4 =	vand.u32 $0xFFFFFFC0, v61  }
0xa0: {  	v3 =	vor.u32 v3, v4  }
0xa1: {  	v4 =	vperm.xlane v3, v0;
	_ =	sdelay $0x1  }
0xa2: {  	v4 =	vadd.s32 v1, v4;
	_ =	sdelay $0x4  }
0xa3: {  	[tilespmem:s9], [sflag:$0x1] =	stream.indirect_vreg.gather [hbm4b:s3+s2], $0x80, v4, vm0, $0xb8;
	[tilespmem:$0x10200] =	vst v63  }
0xa4: {  	v3 =	vperm.xlane v3, v2  }
0xa5: {  	[tilespmem:s16], [sflag:$0x1] =	stream.indirect_vreg.gather [hbm4b:s4+s2], $0x80, v4, vm0, $0xb8;
	[tilespmem:$0x10200] =	vst v63  }
0xa6: {  	v3 =	vadd.s32 v1, v3  }
0xa7: {  	[tilespmem:s10], [sflag:$0x1] =	stream.indirect_vreg.gather [hbm4b:s5+s2], $0x80, v4, vm0, $0xb8;
	[tilespmem:$0x10200] =	vst v63  }
0xa8: {  	_ = 	snop  }
0xa9: {  	[tilespmem:s11], [sflag:$0x1] =	stream.indirect_vreg.gather [hbm4b:s6+s2], $0x80, v4, vm0, $0xb8;
	[tilespmem:$0x10200] =	vst v63  }
0xaa: {  	_ = 	snop  }
0xab: {  	[tilespmem:s12], [sflag:$0x1] =	stream.indirect_vreg.gather [hbm4b:s3+s2], $0x80, v3, vm0, $0xb8;
	[tilespmem:$0x10200] =	vst v63  }
0xac: {  	_ = 	snop  }
0xad: {  	[tilespmem:s13], [sflag:$0x1] =	stream.indirect_vreg.gather [hbm4b:s4+s2], $0x80, v3, vm0, $0xb8;
	[tilespmem:$0x10200] =	vst v63  }
0xae: {  	_ = 	snop  }
0xaf: {  	[tilespmem:s14], [sflag:$0x1] =	stream.indirect_vreg.gather [hbm4b:s5+s2], $0x80, v3, vm0, $0xb8;
	[tilespmem:$0x10200] =	vst v63  }
0xb0: {  	s9 =	simm.s32 $0x2  }
0xb1: {  	[tilespmem:s15], [sflag:$0x1] =	stream.indirect_vreg.gather [hbm4b:s6+s2], $0x80, v3, vm0, $0xb8;
	[tilespmem:$0x10200] =	vst v63  }
0xb2: {  	_ =	swait.ge [sflag:s9], $0x8000  }
0xb3: {  	[sflag:s9] =	ssyncset.done $0x0  }
0xb4: {  	s10 =	simm.s32 $0x4;
	s11 =	rddreg [dreg:$0x8];
	[sflag:s9] =	ssyncadd.s32 $0xFFFF8000  }
0xb5: {  	[hbm4b:s11+s2] =	stream.linear.scatter [tilespmem:s18], [sflag:$0x4], $0x8000, $0x38;
	[tilespmem:$0x10200] =	vst v63  }
0xb6: {  	_ =	swait.ge [sflag:s10], $0x8000  }
0xb7: {  	[sflag:s10] =	ssyncset.done $0x0  }
0xb8: {  	[sflag:s10] =	ssyncadd.s32 $0xFFFF8000  }
0xb9: {  	v3 =	vld [tilespmem:$0x180];
	_ =	sdelay $0x4  }
0xba: {  	v62 =	vshll.u32 v3, $0x3  }
0xbb: {  	v3 =	vand.u32 $0x7, v3;
	v4 =	vand.u32 $0xFFFFFFC0, v62  }
0xbc: {  	v3 =	vor.u32 v3, v4  }
0xbd: {  	v4 =	vperm.xlane v3, v0;
	_ =	sdelay $0x1  }
0xbe: {  	v4 =	vadd.s32 v1, v4;
	_ =	sdelay $0x4  }
0xbf: {  	[tilespmem:s18], [sflag:$0x2] =	stream.indirect_vreg.gather [hbm4b:s3+s2], $0x80, v4, vm0, $0xb8;
	[tilespmem:$0x10200] =	vst v63  }
0xc0: {  	s23 =	simm.s32 $0x8A00;
	v3 =	vperm.xlane v3, v2  }
0xc1: {  	[tilespmem:s23], [sflag:$0x2] =	stream.indirect_vreg.gather [hbm4b:s4+s2], $0x80, v4, vm0, $0xb8;
	[tilespmem:$0x10200] =	vst v63  }
0xc2: {  	v3 =	vadd.s32 v1, v3  }
0xc3: {  	[tilespmem:s17], [sflag:$0x2] =	stream.indirect_vreg.gather [hbm4b:s5+s2], $0x80, v4, vm0, $0xb8;
	[tilespmem:$0x10200] =	vst v63  }
0xc4: {  	s22 =	simm.s32 $0x9A00  }
0xc5: {  	[tilespmem:s22], [sflag:$0x2] =	stream.indirect_vreg.gather [hbm4b:s6+s2], $0x80, v4, vm0, $0xb8;
	[tilespmem:$0x10200] =	vst v63  }
0xc6: {  	_ = 	snop  }
0xc7: {  	[tilespmem:s19], [sflag:$0x2] =	stream.indirect_vreg.gather [hbm4b:s3+s2], $0x80, v3, vm0, $0xb8;
	[tilespmem:$0x10200] =	vst v63  }
0xc8: {  	_ = 	snop  }
0xc9: {  	[tilespmem:s20], [sflag:$0x2] =	stream.indirect_vreg.gather [hbm4b:s4+s2], $0x80, v3, vm0, $0xb8;
	[tilespmem:$0x10200] =	vst v63  }
0xca: {  	_ = 	snop  }
0xcb: {  	[tilespmem:s21], [sflag:$0x2] =	stream.indirect_vreg.gather [hbm4b:s5+s2], $0x80, v3, vm0, $0xb8;
	[tilespmem:$0x10200] =	vst v63  }
0xcc: {  	s23 =	simm.s32 $0xBA00  }
0xcd: {  	[tilespmem:s23], [sflag:$0x2] =	stream.indirect_vreg.gather [hbm4b:s6+s2], $0x80, v3, vm0, $0xb8;
	[tilespmem:$0x10200] =	vst v63  }
0xce: {  	v3 =	vld [tilespmem:$0x190];
	_ =	sdelay $0x4  }
0xcf: {  	v63 =	vshll.u32 v3, $0x3  }
0xd0: {  	v3 =	vand.u32 $0x7, v3;
	v4 =	vand.u32 $0xFFFFFFC0, v63  }
0xd1: {  	v3 =	vor.u32 v3, v4  }
0xd2: {  	v4 =	vperm.xlane v3, v0;
	_ =	sdelay $0x1  }
0xd3: {  	v4 =	vadd.s32 v1, v4;
	_ =	sdelay $0x3  }
0xd4: {  	s22 =	simm.s32 $0xC200  }
0xd5: {  	[tilespmem:s22], [sflag:$0x2] =	stream.indirect_vreg.gather [hbm4b:s3+s2], $0x80, v4, vm0, $0xb8;
	[tilespmem:$0x10200] =	vst v63  }
0xd6: {  	s23 =	simm.s32 $0xCA00;
	v3 =	vperm.xlane v3, v2  }
0xd7: {  	[tilespmem:s23], [sflag:$0x2] =	stream.indirect_vreg.gather [hbm4b:s4+s2], $0x80, v4, vm0, $0xb8;
	[tilespmem:$0x10200] =	vst v63  }
0xd8: {  	v3 =	vadd.s32 v1, v3;
	s22 =	simm.s32 $0xD200  }
0xd9: {  	[tilespmem:s22], [sflag:$0x2] =	stream.indirect_vreg.gather [hbm4b:s5+s2], $0x80, v4, vm0, $0xb8;
	[tilespmem:$0x10200] =	vst v63  }
0xda: {  	s23 =	simm.s32 $0xDA00  }
0xdb: {  	[tilespmem:s23], [sflag:$0x2] =	stream.indirect_vreg.gather [hbm4b:s6+s2], $0x80, v4, vm0, $0xb8;
	[tilespmem:$0x10200] =	vst v63  }
0xdc: {  	s22 =	simm.s32 $0xE200  }
0xdd: {  	[tilespmem:s22], [sflag:$0x2] =	stream.indirect_vreg.gather [hbm4b:s3+s2], $0x80, v3, vm0, $0xb8;
	[tilespmem:$0x10200] =	vst v63  }
0xde: {  	s23 =	simm.s32 $0xEA00  }
0xdf: {  	[tilespmem:s23], [sflag:$0x2] =	stream.indirect_vreg.gather [hbm4b:s4+s2], $0x80, v3, vm0, $0xb8;
	[tilespmem:$0x10200] =	vst v63  }
0xe0: {  	s22 =	simm.s32 $0xF200  }
0xe1: {  	[tilespmem:s22], [sflag:$0x2] =	stream.indirect_vreg.gather [hbm4b:s5+s2], $0x80, v3, vm0, $0xb8;
	[tilespmem:$0x10200] =	vst v63  }
0xe2: {  	s23 =	simm.s32 $0xFA00  }
0xe3: {  	[tilespmem:s23], [sflag:$0x2] =	stream.indirect_vreg.gather [hbm4b:s6+s2], $0x80, v3, vm0, $0xb8;
	[tilespmem:$0x10200] =	vst v63  }
0xe4: {  	_ =	swait.ge [sflag:s0], $0x8000  }
0xe5: {  	[sflag:s0] =	ssyncset.done $0x0  }
0xe6: {  	s11 =	rddreg [dreg:$0x9];
	[sflag:s0] =	ssyncadd.s32 $0xFFFF8000  }
0xe7: {  	[hbm4b:s11+s2] =	stream.linear.scatter [tilespmem:s25], [sflag:$0x3], $0x8000, $0x38;
	[tilespmem:$0x10200] =	vst v63  }
0xe8: {  	_ =	swait.ge [sflag:s9], $0x8000  }
0xe9: {  	[sflag:s9] =	ssyncset.done $0x0  }
0xea: {  	s23 =	rddreg [dreg:$0xa];
	[sflag:s9] =	ssyncadd.s32 $0xFFFF8000  }
0xeb: {  	[hbm4b:s23+s2] =	stream.linear.scatter [tilespmem:s18], [sflag:$0x4], $0x8000, $0x38;
	[tilespmem:$0x10200] =	vst v63  }
0xec: {  	p0 =	sne.s32 s7, $0x1;
	_ =	swait.ge [sflag:s1], $0x8000  }
.Ltmp0:
0xed: {  	[sflag:s1] =	ssyncset.done $0x0;
	(pc) =	sbr.rel @p0 .LBB2_1-.Ltmp0, $4  }
0xee: {  	[sflag:s1] =	ssyncadd.s32 $0xFFFF8000  }
0xef: {  	_ =	swait.ge [sflag:s10], $0x8000  }
0xf0: {  	[sflag:s10] =	ssyncset.done $0x0  }
0xf1: {  	s7 =	sadd.s32 $0xFFFFFFFF, s7;
	[sflag:s10] =	ssyncadd.s32 $0xFFFF8000  }
0xf2: {  	_ =	sfence.sel $0x180000  }
0xf3: {  	[bflag:$0x0] =	sbarrier.arrive $0xFFFF  }
0xf4: {  	_ =	strace $0x9000004A  }
0xf5: {  	s0 =	stileid.u32;
	[bflag:$0x2] =	sbarrier.arrive $0xFFFF  }
0xf6: {  	p0 =	sne.s32 s0, $0x0;
	s0 =	rddreg [dreg:$0x2]  }
0xf7: {  	s0 =	sadd.s32 @!p0 $0x100000, s0  }
0xf8: {  	[sflag:s0] =	ssyncadd.tile.s32 @!p0 $0x1;
	_ =	shalt  }
.Lfunc_end2:
_tile_overlayer_lowered:
.L_overlay_start_2:
0xf9: {  	(tag) =	ssettag $0x2  }
0xfa: {  	s0 =	rddreg [dreg:$0x0];
	s2 =	stileid.u32  }
0xfb: {  	s1 =	rddreg [dreg:$0x1];
	p0 =	sne.s32 s2, $0x0  }
0xfc: {  	s3 =	rddreg [dreg:$0x2];
	[bflag:$0x3] =	sbarrier.arrive $0xFFFF;
	s2 =	simm.s32 @!p0 $0x1C05  }
0xfd: {  	[timem:s3], [sflag:s2] =	dma.local @!p0 [hbm:s0], s1  }
0xfe: {  	s0 =	simm.s32 @!p0 $0x5  }
0xff: {  	_ =	swait.ge @!p0 [sflag:s0], s1  }
0x100: {  	s1 =	ssub.s32 @!p0 $0x0, s1;
	[sflag:s0] =	ssyncset.done @!p0 $0x0  }
0x101: {  	[sflag:s0] =	ssyncadd.s32 @!p0 s1  }
0x102: {  	[bflag:$0x3] =	sbarrier.arrive $0xFFFF  }
0x103: {  	_ =	shalt  }

</sc_bundles>
